<compile_context>
chip_gen: v7x
topology: tpu7x:2x2x1
jax: 0.10.2.dev20260603
libtpu: 0.0.44.dev20260713+nightly
codegen_flags: <defaults>
</compile_context>

<pallas_src>
import functools

import jax
import jax.numpy as jnp
from jax import lax
from jax.experimental import pallas as pl
from jax.experimental.pallas import tpu as pltpu
from jax.experimental.pallas import tpu_sc as plsc

N = 10000
E = 320000
C = 128
EPS = 1e-5

NC, NS = 2, 16
NW = NC * NS
EPW = E // NW
CH = 128
NCHUNK = 80
PADW = NCHUNK * CH
NPAD = 10240
RPS = NPAD // NS
DUMMY = N
NBUF = 2
G = NCHUNK // 2

_mesh = plsc.VectorSubcoreMesh(core_axis_name="c", subcore_axis_name="s")



@functools.partial(
    pl.kernel,
    out_type=jax.ShapeDtypeStruct((NC, NPAD), jnp.float32),
    mesh=_mesh,
    scratch_types=[
        pltpu.VMEM((NCHUNK, 2, CH), jnp.int32),
        pltpu.VMEM((CH,), jnp.float32),
        pltpu.VMEM_SHARED((NPAD,), jnp.float32),
        pltpu.SemaphoreType.DMA,
    ],
)
def _sc_degree(eidx_hbm, ones_hbm, zrow_hbm, out_hbm, idx_v, ones_v, deg_sh,
               ssem):
    c = lax.axis_index("c")
    s = lax.axis_index("s")
    w = c * NS + s
    pltpu.sync_copy(zrow_hbm, deg_sh.at[pl.ds(s * RPS, RPS)])
    pltpu.sync_copy(eidx_hbm.at[w], idx_v)
    pltpu.sync_copy(ones_hbm, ones_v)
    plsc.subcore_barrier()

    @pl.loop(0, NCHUNK)
    def _fire(j):
        pltpu.async_copy(ones_v, deg_sh.at[idx_v.at[j, 1]], ssem, add=True)

    @pl.loop(0, NCHUNK)
    def _drain(j):
        pltpu.make_async_copy(ones_v, deg_sh.at[idx_v.at[j, 1]], ssem).wait()

    plsc.subcore_barrier()
    pltpu.sync_copy(deg_sh.at[pl.ds(s * RPS, RPS)],
                    out_hbm.at[c, pl.ds(s * RPS, RPS)])



@functools.partial(
    pl.kernel,
    out_type=jax.ShapeDtypeStruct((NC, NPAD, C), jnp.float32),
    mesh=_mesh,
    scratch_types=[
        pltpu.VMEM((G, 2, CH), jnp.int32),
        pltpu.VMEM((NBUF, CH, C), jnp.float32),
        pltpu.VMEM_SHARED((NPAD, C), jnp.float32),
        [pltpu.SemaphoreType.DMA] * NBUF,
        [pltpu.SemaphoreType.DMA] * NBUF,
    ],
)
def _sc_aggregate(y_hbm, eidx_hbm, zrows_hbm, out_hbm,
                  widx_v, rowbuf, acc_sh, gsems, ssems):
    c = lax.axis_index("c")
    s = lax.axis_index("s")
    w = c * NS + s
    pltpu.sync_copy(zrows_hbm, acc_sh.at[pl.ds(s * RPS, RPS)])
    plsc.subcore_barrier()

    def _gather(j, b):
        pltpu.async_copy(y_hbm.at[widx_v.at[j, 0]], rowbuf.at[b], gsems[b])

    def _gather_wait(j, b):
        pltpu.make_async_copy(y_hbm.at[widx_v.at[j, 0]], rowbuf.at[b],
                              gsems[b]).wait()

    def _scatter(j, b):
        pltpu.async_copy(rowbuf.at[b], acc_sh.at[widx_v.at[j, 1]], ssems[b],
                         add=True)

    def _scatter_wait(j, b):
        pltpu.make_async_copy(rowbuf.at[b], acc_sh.at[widx_v.at[j, 1]],
                              ssems[b]).wait()

    for h in range(NCHUNK // G):
        pltpu.sync_copy(eidx_hbm.at[w, pl.ds(h * G, G)], widx_v)

        for b in range(NBUF):
            _gather(b, b)

        @pl.loop(0, G - NBUF, step=NBUF)
        def _steady(g):
            for b in range(NBUF):
                _gather_wait(g + b, b)
                _scatter(g + b, b)
            for b in range(NBUF):
                _scatter_wait(g + b, b)
                _gather(g + NBUF + b, b)

        for b in range(NBUF):
            _gather_wait(G - NBUF + b, b)
            _scatter(G - NBUF + b, b)
        for b in range(NBUF):
            _scatter_wait(G - NBUF + b, b)

    plsc.subcore_barrier()
    pltpu.sync_copy(acc_sh.at[pl.ds(s * RPS, RPS)],
                    out_hbm.at[c, pl.ds(s * RPS, RPS)])



BR = 1280


def _mm_body(x_ref, w_ref, degt_ref, y_ref):
    xw = jnp.dot(x_ref[...], w_ref[...], preferred_element_type=jnp.float32)
    dd = degt_ref[...]
    dinv = lax.rsqrt(dd[:, 0:1] + dd[:, 1:2] + 1.0)
    y_ref[...] = xw * dinv


def _tc_matmul(x_p, W, degt):
    return pl.pallas_call(
        _mm_body,
        grid=(NPAD // BR,),
        in_specs=[
            pl.BlockSpec((BR, C), lambda i: (i, 0)),
            pl.BlockSpec((C, C), lambda i: (0, 0)),
            pl.BlockSpec((BR, NC), lambda i: (i, 0)),
        ],
        out_specs=pl.BlockSpec((BR, C), lambda i: (i, 0)),
        out_shape=jax.ShapeDtypeStruct((NPAD, C), jnp.float32),
    )(x_p, W, degt)



def _fin_body(a0_ref, a1_ref, y_ref, degt_ref, b_ref, g_ref, bt_ref, o_ref):
    dd = degt_ref[...]
    dinv = lax.rsqrt(dd[:, 0:1] + dd[:, 1:2] + 1.0)
    pre = (a0_ref[...] + a1_ref[...] + y_ref[...]) * dinv + b_ref[...]
    pv = pre[:N]
    mean = jnp.mean(pv, axis=0, keepdims=True)
    var = jnp.mean((pv - mean) ** 2, axis=0, keepdims=True)
    o_ref[...] = jnp.maximum(
        (pv - mean) * lax.rsqrt(var + EPS) * g_ref[...] + bt_ref[...], 0.0)


def _tc_finish(a0, a1, y, degt, b2, g2, bt2):
    return pl.pallas_call(
        _fin_body,
        out_shape=jax.ShapeDtypeStruct((N, C), jnp.float32),
    )(a0, a1, y, degt, b2, g2, bt2)



def kernel(x, edge_index, W, b, gamma, beta):
    ei = edge_index.astype(jnp.int32)
    src = ei[0].reshape(NW, EPW)
    dst = ei[1].reshape(NW, EPW)
    pad_s = jnp.zeros((NW, PADW - EPW), jnp.int32)
    pad_d = jnp.full((NW, PADW - EPW), DUMMY, jnp.int32)
    srcp = jnp.concatenate([src, pad_s], axis=1).reshape(NW, NCHUNK, CH)
    dstp = jnp.concatenate([dst, pad_d], axis=1).reshape(NW, NCHUNK, CH)
    eidx = jnp.stack([srcp, dstp], axis=2)
    x_p = jnp.pad(x, ((0, NPAD - N), (0, 0)))

    onesv = jnp.ones((CH,), jnp.float32)
    zrow = jnp.zeros((RPS,), jnp.float32)
    zrows = jnp.zeros((RPS, C), jnp.float32)

    deg = _sc_degree(eidx, onesv, zrow)
    degt = deg.T
    y = _tc_matmul(x_p, W, degt)
    agg = _sc_aggregate(y, eidx, zrows)
    b2 = b.reshape(1, C)
    g2 = gamma.reshape(1, C)
    bt2 = beta.reshape(1, C)
    return _tc_finish(agg[0], agg[1], y, degt, b2, g2, bt2)

# --- scband reference (transcript-rebuilt; emitter-appended) ---
"""Pipeline reference for scband-gcnconv-block-45200235823719 (READ-ONLY COPY).

The authoritative reference and input builder live on the scoring server;
editing this copy changes nothing except your own understanding.
"""

import jax, jax.numpy as jnp
import numpy as np

N_NODES = 10000
N_EDGES = 320000
IN_CH = 128
OUT_CH = 128
BN_EPS = 1e-5


def setup_inputs(seed: int = 0) -> dict:
    key = jax.random.key(seed)
    k_x, k_e, k_w, k_b, k_g, k_beta = jax.random.split(key, 6)
    x = jax.random.normal(k_x, (N_NODES, IN_CH), dtype=jnp.float32)
    edge_index = jax.random.randint(k_e, (2, N_EDGES), 0, N_NODES, dtype=jnp.int64)
    # GCNConv linear weight (glorot) and bias
    limit = np.sqrt(6.0 / (IN_CH + OUT_CH))
    W = jax.random.uniform(k_w, (IN_CH, OUT_CH), minval=-limit, maxval=limit, dtype=jnp.float32)
    b = jnp.zeros((OUT_CH,), dtype=jnp.float32)
    # BatchNorm1d affine params
    gamma = jnp.ones((OUT_CH,), dtype=jnp.float32)
    beta = jnp.zeros((OUT_CH,), dtype=jnp.float32)
    return {"x": x, "edge_index": edge_index, "W": W, "b": b, "gamma": gamma, "beta": beta}


def reference(x, edge_index, W, b, gamma, beta):
    N = x.shape[0]
    # --- GCNConv (PyG semantics): add self-loops, symmetric normalization ---
    loop = jnp.arange(N, dtype=edge_index.dtype)
    src = jnp.concatenate([edge_index[0], loop])
    dst = jnp.concatenate([edge_index[1], loop])
    xw = x @ W
    # degree computed from edge weights (all ones) scattered at destination
    deg = jnp.zeros((N,), dtype=jnp.float32).at[dst].add(1.0)
    deg_inv_sqrt = jnp.where(deg > 0, 1.0 / jnp.sqrt(deg), 0.0)
    norm = deg_inv_sqrt[src] * deg_inv_sqrt[dst]
    msg = xw[src] * norm[:, None]
    out = jnp.zeros((N, xw.shape[1]), dtype=jnp.float32).at[dst].add(msg)
    out = out + b
    # --- BatchNorm1d (training mode: batch statistics) ---
    mean = jnp.mean(out, axis=0)
    var = jnp.var(out, axis=0)
    out = (out - mean) / jnp.sqrt(var + BN_EPS) * gamma + beta
    # --- ReLU ---
    out = jnp.maximum(out, 0.0)
    # --- Dropout(rate=0.0) -> identity ---
    return out

if __name__ == "__main__":
    import jax
    _d = setup_inputs()
    print(jax.jit(kernel)(*tuple(_d.values())))

</pallas_src>

<mosaic_0001>
#map = affine_map<(d0, d1) -> (0, 0, 0, 0)>
#map1 = affine_map<(d0, d1) -> (0)>
#map2 = affine_map<(d0, d1) -> (0, 0)>
module attributes {stable_mosaic.version = 14 : i64} {
  func.func @_sc_degree(%arg0: i32, %arg1: i32, %arg2: memref<32x80x2x128xi32, #tpu.memory_space<hbm>>, %arg3: memref<128xf32, #tpu.memory_space<hbm>>, %arg4: memref<640xf32, #tpu.memory_space<hbm>>, %arg5: memref<2x10240xf32, #tpu.memory_space<hbm>>, %arg6: memref<80x2x128xi32, #tpu.memory_space<vmem>>, %arg7: memref<128xf32, #tpu.memory_space<vmem>>, %arg8: memref<10240xf32, #tpu.memory_space<vmem_shared>>, %arg9: memref<!tpu.dma_semaphore, #tpu.memory_space<semaphore_mem>>) attributes {dimension_semantics = [#tpu.dimension_semantics<core_parallel>, #tpu.dimension_semantics<subcore_parallel>], iteration_bounds = array<i64: 2, 16>, scalar_prefetch = 0 : i64, scratch_operands = 4 : i64, tpu.core_type = #tpu.core_type<sc_vector_subcore>, window_params = [{transform_indices = #map}, {transform_indices = #map1}, {transform_indices = #map1}, {transform_indices = #map2}]} {
    %mul3A = arith.constant 16 : i32
    %mul3A_0 = arith.muli %arg0, %mul3A : i32
    %add3A = arith.addi %mul3A_0, %arg1 : i32
    %mul3A_1 = arith.constant 640 : i32
    %mul3A_2 = arith.muli %arg1, %mul3A_1 : i32
    "tpu.region"() ({
      %run_scoped3A = tpu.sem_alloc : memref<!tpu.dma_semaphore, #tpu.memory_space<semaphore_mem>>
      %dma_start3A = tpu.memref_slice %arg8[%mul3A_2] : memref<10240xf32, #tpu.memory_space<vmem_shared>> -> memref<640xf32, #tpu.memory_space<vmem_shared>>
      tpu.enqueue_dma source(%arg4 : memref<640xf32, #tpu.memory_space<hbm>>) target(%dma_start3A : memref<640xf32, #tpu.memory_space<vmem_shared>>) target_semaphore(%run_scoped3A : memref<!tpu.dma_semaphore, #tpu.memory_space<semaphore_mem>>)
      %dma_wait3A = tpu.memref_slice %arg8[%mul3A_2] : memref<10240xf32, #tpu.memory_space<vmem_shared>> -> memref<640xf32, #tpu.memory_space<vmem_shared>>
      tpu.wait_dma2 semaphore(%run_scoped3A : memref<!tpu.dma_semaphore, #tpu.memory_space<semaphore_mem>>) src(%arg4 : memref<640xf32, #tpu.memory_space<hbm>>) dst(%dma_wait3A : memref<640xf32, #tpu.memory_space<vmem_shared>>)
      tpu.yield
    }) : () -> ()
    "tpu.region"() ({
      %run_scoped3A = tpu.sem_alloc : memref<!tpu.dma_semaphore, #tpu.memory_space<semaphore_mem>>
      %dma_start3A = arith.constant 0 : i32
      %dma_start3A_17 = arith.constant 0 : i32
      %dma_start3A_18 = arith.constant 0 : i32
      %dma_start3A_19 = tpu.memref_slice %arg2[%add3A, %dma_start3A, %dma_start3A_17, %dma_start3A_18] : memref<32x80x2x128xi32, #tpu.memory_space<hbm>> -> memref<1x80x2x128xi32, #tpu.memory_space<hbm>>
      %dma_start3A_20 = tpu.memref_squeeze %dma_start3A_19 : memref<1x80x2x128xi32, #tpu.memory_space<hbm>> -> memref<80x2x128xi32, #tpu.memory_space<hbm>>
      %dma_start3A_21 = arith.constant 0 : i32
      %dma_start3A_22 = arith.constant 0 : i32
      %dma_start3A_23 = arith.constant 0 : i32
      %dma_start3A_24 = tpu.memref_slice %arg2[%add3A, %dma_start3A_21, %dma_start3A_22, %dma_start3A_23] : memref<32x80x2x128xi32, #tpu.memory_space<hbm>> -> memref<1x80x2x128xi32, #tpu.memory_space<hbm>>
      %dma_start3A_25 = tpu.memref_squeeze %dma_start3A_24 : memref<1x80x2x128xi32, #tpu.memory_space<hbm>> -> memref<80x2x128xi32, #tpu.memory_space<hbm>>
      tpu.enqueue_dma source(%dma_start3A_25 : memref<80x2x128xi32, #tpu.memory_space<hbm>>) target(%arg6 : memref<80x2x128xi32, #tpu.memory_space<vmem>>) target_semaphore(%run_scoped3A : memref<!tpu.dma_semaphore, #tpu.memory_space<semaphore_mem>>)
      %dma_wait3A = arith.constant 0 : i32
      %dma_wait3A_26 = arith.constant 0 : i32
      %dma_wait3A_27 = arith.constant 0 : i32
      %dma_wait3A_28 = tpu.memref_slice %arg2[%add3A, %dma_wait3A, %dma_wait3A_26, %dma_wait3A_27] : memref<32x80x2x128xi32, #tpu.memory_space<hbm>> -> memref<1x80x2x128xi32, #tpu.memory_space<hbm>>
      %dma_wait3A_29 = tpu.memref_squeeze %dma_wait3A_28 : memref<1x80x2x128xi32, #tpu.memory_space<hbm>> -> memref<80x2x128xi32, #tpu.memory_space<hbm>>
      %dma_wait3A_30 = arith.constant 0 : i32
      %dma_wait3A_31 = arith.constant 0 : i32
      %dma_wait3A_32 = arith.constant 0 : i32
      %dma_wait3A_33 = tpu.memref_slice %arg2[%add3A, %dma_wait3A_30, %dma_wait3A_31, %dma_wait3A_32] : memref<32x80x2x128xi32, #tpu.memory_space<hbm>> -> memref<1x80x2x128xi32, #tpu.memory_space<hbm>>
      %dma_wait3A_34 = tpu.memref_squeeze %dma_wait3A_33 : memref<1x80x2x128xi32, #tpu.memory_space<hbm>> -> memref<80x2x128xi32, #tpu.memory_space<hbm>>
      tpu.wait_dma2 semaphore(%run_scoped3A : memref<!tpu.dma_semaphore, #tpu.memory_space<semaphore_mem>>) src(%dma_wait3A_34 : memref<80x2x128xi32, #tpu.memory_space<hbm>>) dst(%arg6 : memref<80x2x128xi32, #tpu.memory_space<vmem>>)
      tpu.yield
    }) : () -> ()
    "tpu.region"() ({
      %run_scoped3A = tpu.sem_alloc : memref<!tpu.dma_semaphore, #tpu.memory_space<semaphore_mem>>
      tpu.enqueue_dma source(%arg3 : memref<128xf32, #tpu.memory_space<hbm>>) target(%arg7 : memref<128xf32, #tpu.memory_space<vmem>>) target_semaphore(%run_scoped3A : memref<!tpu.dma_semaphore, #tpu.memory_space<semaphore_mem>>)
      tpu.wait_dma2 semaphore(%run_scoped3A : memref<!tpu.dma_semaphore, #tpu.memory_space<semaphore_mem>>) src(%arg3 : memref<128xf32, #tpu.memory_space<hbm>>) dst(%arg7 : memref<128xf32, #tpu.memory_space<vmem>>)
      tpu.yield
    }) : () -> ()
    %barrier3A = arith.constant 0 : index
    tpu.barrier barrier_id(%barrier3A)
    %scan3A = arith.constant 0 : i32
    %scan3A_3 = arith.constant 80 : i32
    %scan3A_4 = arith.addi %scan3A, %scan3A_3 : i32
    %scan3A_5 = arith.constant 1 : i32
    scf.for %scan3A_17 = %scan3A to %scan3A_4 step %scan3A_5  : i32 {
      %mul3A_18 = arith.constant 1 : i32
      %mul3A_19 = arith.muli %scan3A_17, %mul3A_18 : i32
      %add3A_20 = arith.constant 0 : i32
      %add3A_21 = arith.addi %add3A_20, %mul3A_19 : i32
      %dma_start3A = arith.constant 1 : i32
      %dma_start3A_22 = arith.constant 0 : i32
      %dma_start3A_23 = tpu.memref_slice %arg6[%add3A_21, %dma_start3A, %dma_start3A_22] : memref<80x2x128xi32, #tpu.memory_space<vmem>> -> memref<1x1x128xi32, #tpu.memory_space<vmem>>
      %dma_start3A_24 = tpu.memref_squeeze %dma_start3A_23 : memref<1x1x128xi32, #tpu.memory_space<vmem>> -> memref<128xi32, #tpu.memory_space<vmem>>
      %dma_start3A_25 = arith.constant 0 : i32
      %dma_start3A_26 = tpu.memref_slice %arg8[%dma_start3A_25] : memref<10240xf32, #tpu.memory_space<vmem_shared>> -> memref<10240xf32, #tpu.memory_space<vmem_shared>>
      tpu.enqueue_indirect_dma source(%arg7 : memref<128xf32, #tpu.memory_space<vmem>>) target(%dma_start3A_26 : memref<10240xf32, #tpu.memory_space<vmem_shared>>) offsets(%dma_start3A_24 : memref<128xi32, #tpu.memory_space<vmem>>) semaphore(%arg9 : memref<!tpu.dma_semaphore, #tpu.memory_space<semaphore_mem>>) {add = true}
    }
    %scan3A_6 = arith.constant 80 : i32
    %scan3A_7 = arith.constant 0 : i32
    %scan3A_8 = arith.constant 80 : i32
    %scan3A_9 = arith.addi %scan3A_7, %scan3A_8 : i32
    %scan3A_10 = arith.constant 1 : i32
    scf.for %scan3A_17 = %scan3A_7 to %scan3A_9 step %scan3A_10  : i32 {
      %mul3A_18 = arith.constant 1 : i32
      %mul3A_19 = arith.muli %scan3A_17, %mul3A_18 : i32
      %add3A_20 = arith.constant 0 : i32
      %add3A_21 = arith.addi %add3A_20, %mul3A_19 : i32
      %dma_wait3A = arith.constant 1 : i32
      %dma_wait3A_22 = arith.constant 0 : i32
      %dma_wait3A_23 = tpu.memref_slice %arg6[%add3A_21, %dma_wait3A, %dma_wait3A_22] : memref<80x2x128xi32, #tpu.memory_space<vmem>> -> memref<1x1x128xi32, #tpu.memory_space<vmem>>
      %dma_wait3A_24 = tpu.memref_squeeze %dma_wait3A_23 : memref<1x1x128xi32, #tpu.memory_space<vmem>> -> memref<128xi32, #tpu.memory_space<vmem>>
      %dma_wait3A_25 = arith.constant 0 : i32
      %dma_wait3A_26 = tpu.memref_slice %arg8[%dma_wait3A_25] : memref<10240xf32, #tpu.memory_space<vmem_shared>> -> memref<10240xf32, #tpu.memory_space<vmem_shared>>
      tpu.wait_indirect_dma semaphore(%arg9 : memref<!tpu.dma_semaphore, #tpu.memory_space<semaphore_mem>>) src(%arg7 : memref<128xf32, #tpu.memory_space<vmem>>) dst(%dma_wait3A_26 : memref<10240xf32, #tpu.memory_space<vmem_shared>>)
    }
    %scan3A_11 = arith.constant 80 : i32
    %barrier3A_12 = arith.constant 0 : index
    tpu.barrier barrier_id(%barrier3A_12)
    %mul3A_13 = arith.constant 640 : i32
    %mul3A_14 = arith.muli %arg1, %mul3A_13 : i32
    %mul3A_15 = arith.constant 640 : i32
    %mul3A_16 = arith.muli %arg1, %mul3A_15 : i32
    "tpu.region"() ({
      %run_scoped3A = tpu.sem_alloc : memref<!tpu.dma_semaphore, #tpu.memory_space<semaphore_mem>>
      %dma_start3A = tpu.memref_slice %arg5[%arg0, %mul3A_16] : memref<2x10240xf32, #tpu.memory_space<hbm>> -> memref<1x640xf32, #tpu.memory_space<hbm>>
      %dma_start3A_17 = tpu.memref_squeeze %dma_start3A : memref<1x640xf32, #tpu.memory_space<hbm>> -> memref<640xf32, #tpu.memory_space<hbm>>
      %dma_start3A_18 = tpu.memref_slice %arg8[%mul3A_14] : memref<10240xf32, #tpu.memory_space<vmem_shared>> -> memref<640xf32, #tpu.memory_space<vmem_shared>>
      tpu.enqueue_dma source(%dma_start3A_18 : memref<640xf32, #tpu.memory_space<vmem_shared>>) target(%dma_start3A_17 : memref<640xf32, #tpu.memory_space<hbm>>) target_semaphore(%run_scoped3A : memref<!tpu.dma_semaphore, #tpu.memory_space<semaphore_mem>>)
      %dma_wait3A = tpu.memref_slice %arg5[%arg0, %mul3A_16] : memref<2x10240xf32, #tpu.memory_space<hbm>> -> memref<1x640xf32, #tpu.memory_space<hbm>>
      %dma_wait3A_19 = tpu.memref_squeeze %dma_wait3A : memref<1x640xf32, #tpu.memory_space<hbm>> -> memref<640xf32, #tpu.memory_space<hbm>>
      %dma_wait3A_20 = tpu.memref_slice %arg8[%mul3A_14] : memref<10240xf32, #tpu.memory_space<vmem_shared>> -> memref<640xf32, #tpu.memory_space<vmem_shared>>
      tpu.wait_dma2 semaphore(%run_scoped3A : memref<!tpu.dma_semaphore, #tpu.memory_space<semaphore_mem>>) src(%dma_wait3A_20 : memref<640xf32, #tpu.memory_space<vmem_shared>>) dst(%dma_wait3A_19 : memref<640xf32, #tpu.memory_space<hbm>>)
      tpu.yield
    }) : () -> ()
    return
  }
}

#map = affine_map<(d0, d1) -> (0, 0)>
#map1 = affine_map<(d0, d1) -> (0, 0, 0, 0)>
#map2 = affine_map<(d0, d1) -> (0, 0, 0)>
module attributes {stable_mosaic.version = 14 : i64} {
  func.func @_sc_aggregate(%arg0: i32, %arg1: i32, %arg2: memref<10240x128xf32, #tpu.memory_space<hbm>>, %arg3: memref<32x80x2x128xi32, #tpu.memory_space<hbm>>, %arg4: memref<640x128xf32, #tpu.memory_space<hbm>>, %arg5: memref<2x10240x128xf32, #tpu.memory_space<hbm>>, %arg6: memref<40x2x128xi32, #tpu.memory_space<vmem>>, %arg7: memref<2x128x128xf32, #tpu.memory_space<vmem>>, %arg8: memref<10240x128xf32, #tpu.memory_space<vmem_shared>>, %arg9: memref<!tpu.dma_semaphore, #tpu.memory_space<semaphore_mem>>, %arg10: memref<!tpu.dma_semaphore, #tpu.memory_space<semaphore_mem>>, %arg11: memref<!tpu.dma_semaphore, #tpu.memory_space<semaphore_mem>>, %arg12: memref<!tpu.dma_semaphore, #tpu.memory_space<semaphore_mem>>) attributes {dimension_semantics = [#tpu.dimension_semantics<core_parallel>, #tpu.dimension_semantics<subcore_parallel>], iteration_bounds = array<i64: 2, 16>, scalar_prefetch = 0 : i64, scratch_operands = 7 : i64, tpu.core_type = #tpu.core_type<sc_vector_subcore>, window_params = [{transform_indices = #map}, {transform_indices = #map1}, {transform_indices = #map}, {transform_indices = #map2}]} {
    %mul3A = arith.constant 16 : i32
    %mul3A_0 = arith.muli %arg0, %mul3A : i32
    %add3A = arith.addi %mul3A_0, %arg1 : i32
    %mul3A_1 = arith.constant 640 : i32
    %mul3A_2 = arith.muli %arg1, %mul3A_1 : i32
    "tpu.region"() ({
      %run_scoped3A = tpu.sem_alloc : memref<!tpu.dma_semaphore, #tpu.memory_space<semaphore_mem>>
      %dma_start3A_223 = arith.constant 0 : i32
      %dma_start3A_224 = tpu.memref_slice %arg8[%mul3A_2, %dma_start3A_223] : memref<10240x128xf32, #tpu.memory_space<vmem_shared>> -> memref<640x128xf32, #tpu.memory_space<vmem_shared>>
      tpu.enqueue_dma source(%arg4 : memref<640x128xf32, #tpu.memory_space<hbm>>) target(%dma_start3A_224 : memref<640x128xf32, #tpu.memory_space<vmem_shared>>) target_semaphore(%run_scoped3A : memref<!tpu.dma_semaphore, #tpu.memory_space<semaphore_mem>>)
      %dma_wait3A_225 = arith.constant 0 : i32
      %dma_wait3A_226 = tpu.memref_slice %arg8[%mul3A_2, %dma_wait3A_225] : memref<10240x128xf32, #tpu.memory_space<vmem_shared>> -> memref<640x128xf32, #tpu.memory_space<vmem_shared>>
      tpu.wait_dma2 semaphore(%run_scoped3A : memref<!tpu.dma_semaphore, #tpu.memory_space<semaphore_mem>>) src(%arg4 : memref<640x128xf32, #tpu.memory_space<hbm>>) dst(%dma_wait3A_226 : memref<640x128xf32, #tpu.memory_space<vmem_shared>>)
      tpu.yield
    }) : () -> ()
    %barrier3A = arith.constant 0 : index
    tpu.barrier barrier_id(%barrier3A)
    "tpu.region"() ({
      %run_scoped3A = tpu.sem_alloc : memref<!tpu.dma_semaphore, #tpu.memory_space<semaphore_mem>>
      %dma_start3A_223 = arith.constant 0 : i32
      %dma_start3A_224 = arith.constant 0 : i32
      %dma_start3A_225 = arith.constant 0 : i32
      %dma_start3A_226 = tpu.memref_slice %arg3[%add3A, %dma_start3A_223, %dma_start3A_224, %dma_start3A_225] : memref<32x80x2x128xi32, #tpu.memory_space<hbm>> -> memref<1x40x2x128xi32, #tpu.memory_space<hbm>>
      %dma_start3A_227 = tpu.memref_squeeze %dma_start3A_226 : memref<1x40x2x128xi32, #tpu.memory_space<hbm>> -> memref<40x2x128xi32, #tpu.memory_space<hbm>>
      %dma_start3A_228 = arith.constant 0 : i32
      %dma_start3A_229 = arith.constant 0 : i32
      %dma_start3A_230 = arith.constant 0 : i32
      %dma_start3A_231 = tpu.memref_slice %arg3[%add3A, %dma_start3A_228, %dma_start3A_229, %dma_start3A_230] : memref<32x80x2x128xi32, #tpu.memory_space<hbm>> -> memref<1x40x2x128xi32, #tpu.memory_space<hbm>>
      %dma_start3A_232 = tpu.memref_squeeze %dma_start3A_231 : memref<1x40x2x128xi32, #tpu.memory_space<hbm>> -> memref<40x2x128xi32, #tpu.memory_space<hbm>>
      tpu.enqueue_dma source(%dma_start3A_232 : memref<40x2x128xi32, #tpu.memory_space<hbm>>) target(%arg6 : memref<40x2x128xi32, #tpu.memory_space<vmem>>) target_semaphore(%run_scoped3A : memref<!tpu.dma_semaphore, #tpu.memory_space<semaphore_mem>>)
      %dma_wait3A_233 = arith.constant 0 : i32
      %dma_wait3A_234 = arith.constant 0 : i32
      %dma_wait3A_235 = arith.constant 0 : i32
      %dma_wait3A_236 = tpu.memref_slice %arg3[%add3A, %dma_wait3A_233, %dma_wait3A_234, %dma_wait3A_235] : memref<32x80x2x128xi32, #tpu.memory_space<hbm>> -> memref<1x40x2x128xi32, #tpu.memory_space<hbm>>
      %dma_wait3A_237 = tpu.memref_squeeze %dma_wait3A_236 : memref<1x40x2x128xi32, #tpu.memory_space<hbm>> -> memref<40x2x128xi32, #tpu.memory_space<hbm>>
      %dma_wait3A_238 = arith.constant 0 : i32
      %dma_wait3A_239 = arith.constant 0 : i32
      %dma_wait3A_240 = arith.constant 0 : i32
      %dma_wait3A_241 = tpu.memref_slice %arg3[%add3A, %dma_wait3A_238, %dma_wait3A_239, %dma_wait3A_240] : memref<32x80x2x128xi32, #tpu.memory_space<hbm>> -> memref<1x40x2x128xi32, #tpu.memory_space<hbm>>
      %dma_wait3A_242 = tpu.memref_squeeze %dma_wait3A_241 : memref<1x40x2x128xi32, #tpu.memory_space<hbm>> -> memref<40x2x128xi32, #tpu.memory_space<hbm>>
      tpu.wait_dma2 semaphore(%run_scoped3A : memref<!tpu.dma_semaphore, #tpu.memory_space<semaphore_mem>>) src(%dma_wait3A_242 : memref<40x2x128xi32, #tpu.memory_space<hbm>>) dst(%arg6 : memref<40x2x128xi32, #tpu.memory_space<vmem>>)
      tpu.yield
    }) : () -> ()
    %dma_start3A = arith.constant 0 : i32
    %dma_start3A_3 = arith.constant 0 : i32
    %dma_start3A_4 = arith.constant 0 : i32
    %dma_start3A_5 = arith.constant 0 : i32
    %dma_start3A_6 = arith.constant 0 : i32
    %dma_start3A_7 = tpu.memref_slice %arg7[%dma_start3A_4, %dma_start3A_5, %dma_start3A_6] : memref<2x128x128xf32, #tpu.memory_space<vmem>> -> memref<1x128x128xf32, #tpu.memory_space<vmem>>
    %dma_start3A_8 = tpu.memref_squeeze %dma_start3A_7 : memref<1x128x128xf32, #tpu.memory_space<vmem>> -> memref<128x128xf32, #tpu.memory_space<vmem>>
    %dma_start3A_9 = arith.constant 0 : i32
    %dma_start3A_10 = tpu.memref_slice %arg6[%dma_start3A, %dma_start3A_3, %dma_start3A_9] : memref<40x2x128xi32, #tpu.memory_space<vmem>> -> memref<1x1x128xi32, #tpu.memory_space<vmem>>
    %dma_start3A_11 = tpu.memref_squeeze %dma_start3A_10 : memref<1x1x128xi32, #tpu.memory_space<vmem>> -> memref<128xi32, #tpu.memory_space<vmem>>
    %dma_start3A_12 = arith.constant 0 : i32
    %dma_start3A_13 = arith.constant 0 : i32
    %dma_start3A_14 = tpu.memref_slice %arg2[%dma_start3A_12, %dma_start3A_13] : memref<10240x128xf32, #tpu.memory_space<hbm>> -> memref<10240x128xf32, #tpu.memory_space<hbm>>
    tpu.enqueue_indirect_dma source(%dma_start3A_14 : memref<10240x128xf32, #tpu.memory_space<hbm>>) target(%dma_start3A_8 : memref<128x128xf32, #tpu.memory_space<vmem>>) offsets(%dma_start3A_11 : memref<128xi32, #tpu.memory_space<vmem>>) semaphore(%arg9 : memref<!tpu.dma_semaphore, #tpu.memory_space<semaphore_mem>>)
    %dma_start3A_15 = arith.constant 1 : i32
    %dma_start3A_16 = arith.constant 0 : i32
    %dma_start3A_17 = arith.constant 1 : i32
    %dma_start3A_18 = arith.constant 0 : i32
    %dma_start3A_19 = arith.constant 0 : i32
    %dma_start3A_20 = tpu.memref_slice %arg7[%dma_start3A_17, %dma_start3A_18, %dma_start3A_19] : memref<2x128x128xf32, #tpu.memory_space<vmem>> -> memref<1x128x128xf32, #tpu.memory_space<vmem>>
    %dma_start3A_21 = tpu.memref_squeeze %dma_start3A_20 : memref<1x128x128xf32, #tpu.memory_space<vmem>> -> memref<128x128xf32, #tpu.memory_space<vmem>>
    %dma_start3A_22 = arith.constant 0 : i32
    %dma_start3A_23 = tpu.memref_slice %arg6[%dma_start3A_15, %dma_start3A_16, %dma_start3A_22] : memref<40x2x128xi32, #tpu.memory_space<vmem>> -> memref<1x1x128xi32, #tpu.memory_space<vmem>>
    %dma_start3A_24 = tpu.memref_squeeze %dma_start3A_23 : memref<1x1x128xi32, #tpu.memory_space<vmem>> -> memref<128xi32, #tpu.memory_space<vmem>>
    %dma_start3A_25 = arith.constant 0 : i32
    %dma_start3A_26 = arith.constant 0 : i32
    %dma_start3A_27 = tpu.memref_slice %arg2[%dma_start3A_25, %dma_start3A_26] : memref<10240x128xf32, #tpu.memory_space<hbm>> -> memref<10240x128xf32, #tpu.memory_space<hbm>>
    tpu.enqueue_indirect_dma source(%dma_start3A_27 : memref<10240x128xf32, #tpu.memory_space<hbm>>) target(%dma_start3A_21 : memref<128x128xf32, #tpu.memory_space<vmem>>) offsets(%dma_start3A_24 : memref<128xi32, #tpu.memory_space<vmem>>) semaphore(%arg10 : memref<!tpu.dma_semaphore, #tpu.memory_space<semaphore_mem>>)
    %scan3A = arith.constant 0 : i32
    %scan3A_28 = arith.constant 19 : i32
    %scan3A_29 = arith.addi %scan3A, %scan3A_28 : i32
    %scan3A_30 = arith.constant 1 : i32
    scf.for %scan3A_223 = %scan3A to %scan3A_29 step %scan3A_30  : i32 {
      %mul3A_224 = arith.constant 2 : i32
      %mul3A_225 = arith.muli %scan3A_223, %mul3A_224 : i32
      %add3A_226 = arith.constant 0 : i32
      %add3A_227 = arith.addi %add3A_226, %mul3A_225 : i32
      %add3A_228 = arith.constant 0 : i32
      %add3A_229 = arith.addi %add3A_227, %add3A_228 : i32
      %dma_wait3A_230 = arith.constant 0 : i32
      %dma_wait3A_231 = arith.constant 0 : i32
      %dma_wait3A_232 = arith.constant 0 : i32
      %dma_wait3A_233 = arith.constant 0 : i32
      %dma_wait3A_234 = tpu.memref_slice %arg7[%dma_wait3A_231, %dma_wait3A_232, %dma_wait3A_233] : memref<2x128x128xf32, #tpu.memory_space<vmem>> -> memref<1x128x128xf32, #tpu.memory_space<vmem>>
      %dma_wait3A_235 = tpu.memref_squeeze %dma_wait3A_234 : memref<1x128x128xf32, #tpu.memory_space<vmem>> -> memref<128x128xf32, #tpu.memory_space<vmem>>
      %dma_wait3A_236 = arith.constant 0 : i32
      %dma_wait3A_237 = tpu.memref_slice %arg6[%add3A_229, %dma_wait3A_230, %dma_wait3A_236] : memref<40x2x128xi32, #tpu.memory_space<vmem>> -> memref<1x1x128xi32, #tpu.memory_space<vmem>>
      %dma_wait3A_238 = tpu.memref_squeeze %dma_wait3A_237 : memref<1x1x128xi32, #tpu.memory_space<vmem>> -> memref<128xi32, #tpu.memory_space<vmem>>
      %dma_wait3A_239 = arith.constant 0 : i32
      %dma_wait3A_240 = arith.constant 0 : i32
      %dma_wait3A_241 = tpu.memref_slice %arg2[%dma_wait3A_239, %dma_wait3A_240] : memref<10240x128xf32, #tpu.memory_space<hbm>> -> memref<10240x128xf32, #tpu.memory_space<hbm>>
      tpu.wait_indirect_dma semaphore(%arg9 : memref<!tpu.dma_semaphore, #tpu.memory_space<semaphore_mem>>) src(%dma_wait3A_241 : memref<10240x128xf32, #tpu.memory_space<hbm>>) dst(%dma_wait3A_235 : memref<128x128xf32, #tpu.memory_space<vmem>>)
      %add3A_242 = arith.constant 0 : i32
      %add3A_243 = arith.addi %add3A_227, %add3A_242 : i32
      %dma_start3A_244 = arith.constant 0 : i32
      %dma_start3A_245 = arith.constant 1 : i32
      %dma_start3A_246 = arith.constant 0 : i32
      %dma_start3A_247 = arith.constant 0 : i32
      %dma_start3A_248 = tpu.memref_slice %arg7[%dma_start3A_244, %dma_start3A_246, %dma_start3A_247] : memref<2x128x128xf32, #tpu.memory_space<vmem>> -> memref<1x128x128xf32, #tpu.memory_space<vmem>>
      %dma_start3A_249 = tpu.memref_squeeze %dma_start3A_248 : memref<1x128x128xf32, #tpu.memory_space<vmem>> -> memref<128x128xf32, #tpu.memory_space<vmem>>
      %dma_start3A_250 = arith.constant 0 : i32
      %dma_start3A_251 = tpu.memref_slice %arg6[%add3A_243, %dma_start3A_245, %dma_start3A_250] : memref<40x2x128xi32, #tpu.memory_space<vmem>> -> memref<1x1x128xi32, #tpu.memory_space<vmem>>
      %dma_start3A_252 = tpu.memref_squeeze %dma_start3A_251 : memref<1x1x128xi32, #tpu.memory_space<vmem>> -> memref<128xi32, #tpu.memory_space<vmem>>
      %dma_start3A_253 = arith.constant 0 : i32
      %dma_start3A_254 = arith.constant 0 : i32
      %dma_start3A_255 = tpu.memref_slice %arg8[%dma_start3A_253, %dma_start3A_254] : memref<10240x128xf32, #tpu.memory_space<vmem_shared>> -> memref<10240x128xf32, #tpu.memory_space<vmem_shared>>
      tpu.enqueue_indirect_dma source(%dma_start3A_249 : memref<128x128xf32, #tpu.memory_space<vmem>>) target(%dma_start3A_255 : memref<10240x128xf32, #tpu.memory_space<vmem_shared>>) offsets(%dma_start3A_252 : memref<128xi32, #tpu.memory_space<vmem>>) semaphore(%arg11 : memref<!tpu.dma_semaphore, #tpu.memory_space<semaphore_mem>>) {add = true}
      %add3A_256 = arith.constant 1 : i32
      %add3A_257 = arith.addi %add3A_227, %add3A_256 : i32
      %dma_wait3A_258 = arith.constant 0 : i32
      %dma_wait3A_259 = arith.constant 1 : i32
      %dma_wait3A_260 = arith.constant 0 : i32
      %dma_wait3A_261 = arith.constant 0 : i32
      %dma_wait3A_262 = tpu.memref_slice %arg7[%dma_wait3A_259, %dma_wait3A_260, %dma_wait3A_261] : memref<2x128x128xf32, #tpu.memory_space<vmem>> -> memref<1x128x128xf32, #tpu.memory_space<vmem>>
      %dma_wait3A_263 = tpu.memref_squeeze %dma_wait3A_262 : memref<1x128x128xf32, #tpu.memory_space<vmem>> -> memref<128x128xf32, #tpu.memory_space<vmem>>
      %dma_wait3A_264 = arith.constant 0 : i32
      %dma_wait3A_265 = tpu.memref_slice %arg6[%add3A_257, %dma_wait3A_258, %dma_wait3A_264] : memref<40x2x128xi32, #tpu.memory_space<vmem>> -> memref<1x1x128xi32, #tpu.memory_space<vmem>>
      %dma_wait3A_266 = tpu.memref_squeeze %dma_wait3A_265 : memref<1x1x128xi32, #tpu.memory_space<vmem>> -> memref<128xi32, #tpu.memory_space<vmem>>
      %dma_wait3A_267 = arith.constant 0 : i32
      %dma_wait3A_268 = arith.constant 0 : i32
      %dma_wait3A_269 = tpu.memref_slice %arg2[%dma_wait3A_267, %dma_wait3A_268] : memref<10240x128xf32, #tpu.memory_space<hbm>> -> memref<10240x128xf32, #tpu.memory_space<hbm>>
      tpu.wait_indirect_dma semaphore(%arg10 : memref<!tpu.dma_semaphore, #tpu.memory_space<semaphore_mem>>) src(%dma_wait3A_269 : memref<10240x128xf32, #tpu.memory_space<hbm>>) dst(%dma_wait3A_263 : memref<128x128xf32, #tpu.memory_space<vmem>>)
      %add3A_270 = arith.constant 1 : i32
      %add3A_271 = arith.addi %add3A_227, %add3A_270 : i32
      %dma_start3A_272 = arith.constant 1 : i32
      %dma_start3A_273 = arith.constant 1 : i32
      %dma_start3A_274 = arith.constant 0 : i32
      %dma_start3A_275 = arith.constant 0 : i32
      %dma_start3A_276 = tpu.memref_slice %arg7[%dma_start3A_272, %dma_start3A_274, %dma_start3A_275] : memref<2x128x128xf32, #tpu.memory_space<vmem>> -> memref<1x128x128xf32, #tpu.memory_space<vmem>>
      %dma_start3A_277 = tpu.memref_squeeze %dma_start3A_276 : memref<1x128x128xf32, #tpu.memory_space<vmem>> -> memref<128x128xf32, #tpu.memory_space<vmem>>
      %dma_start3A_278 = arith.constant 0 : i32
      %dma_start3A_279 = tpu.memref_slice %arg6[%add3A_271, %dma_start3A_273, %dma_start3A_278] : memref<40x2x128xi32, #tpu.memory_space<vmem>> -> memref<1x1x128xi32, #tpu.memory_space<vmem>>
      %dma_start3A_280 = tpu.memref_squeeze %dma_start3A_279 : memref<1x1x128xi32, #tpu.memory_space<vmem>> -> memref<128xi32, #tpu.memory_space<vmem>>
      %dma_start3A_281 = arith.constant 0 : i32
      %dma_start3A_282 = arith.constant 0 : i32
      %dma_start3A_283 = tpu.memref_slice %arg8[%dma_start3A_281, %dma_start3A_282] : memref<10240x128xf32, #tpu.memory_space<vmem_shared>> -> memref<10240x128xf32, #tpu.memory_space<vmem_shared>>
      tpu.enqueue_indirect_dma source(%dma_start3A_277 : memref<128x128xf32, #tpu.memory_space<vmem>>) target(%dma_start3A_283 : memref<10240x128xf32, #tpu.memory_space<vmem_shared>>) offsets(%dma_start3A_280 : memref<128xi32, #tpu.memory_space<vmem>>) semaphore(%arg12 : memref<!tpu.dma_semaphore, #tpu.memory_space<semaphore_mem>>) {add = true}
      %add3A_284 = arith.constant 0 : i32
      %add3A_285 = arith.addi %add3A_227, %add3A_284 : i32
      %dma_wait3A_286 = arith.constant 0 : i32
      %dma_wait3A_287 = arith.constant 1 : i32
      %dma_wait3A_288 = arith.constant 0 : i32
      %dma_wait3A_289 = arith.constant 0 : i32
      %dma_wait3A_290 = tpu.memref_slice %arg7[%dma_wait3A_286, %dma_wait3A_288, %dma_wait3A_289] : memref<2x128x128xf32, #tpu.memory_space<vmem>> -> memref<1x128x128xf32, #tpu.memory_space<vmem>>
      %dma_wait3A_291 = tpu.memref_squeeze %dma_wait3A_290 : memref<1x128x128xf32, #tpu.memory_space<vmem>> -> memref<128x128xf32, #tpu.memory_space<vmem>>
      %dma_wait3A_292 = arith.constant 0 : i32
      %dma_wait3A_293 = tpu.memref_slice %arg6[%add3A_285, %dma_wait3A_287, %dma_wait3A_292] : memref<40x2x128xi32, #tpu.memory_space<vmem>> -> memref<1x1x128xi32, #tpu.memory_space<vmem>>
      %dma_wait3A_294 = tpu.memref_squeeze %dma_wait3A_293 : memref<1x1x128xi32, #tpu.memory_space<vmem>> -> memref<128xi32, #tpu.memory_space<vmem>>
      %dma_wait3A_295 = arith.constant 0 : i32
      %dma_wait3A_296 = arith.constant 0 : i32
      %dma_wait3A_297 = tpu.memref_slice %arg8[%dma_wait3A_295, %dma_wait3A_296] : memref<10240x128xf32, #tpu.memory_space<vmem_shared>> -> memref<10240x128xf32, #tpu.memory_space<vmem_shared>>
      tpu.wait_indirect_dma semaphore(%arg11 : memref<!tpu.dma_semaphore, #tpu.memory_space<semaphore_mem>>) src(%dma_wait3A_291 : memref<128x128xf32, #tpu.memory_space<vmem>>) dst(%dma_wait3A_297 : memref<10240x128xf32, #tpu.memory_space<vmem_shared>>)
      %add3A_298 = arith.constant 2 : i32
      %add3A_299 = arith.addi %add3A_227, %add3A_298 : i32
      %add3A_300 = arith.constant 0 : i32
      %add3A_301 = arith.addi %add3A_299, %add3A_300 : i32
      %dma_start3A_302 = arith.constant 0 : i32
      %dma_start3A_303 = arith.constant 0 : i32
      %dma_start3A_304 = arith.constant 0 : i32
      %dma_start3A_305 = arith.constant 0 : i32
      %dma_start3A_306 = tpu.memref_slice %arg7[%dma_start3A_303, %dma_start3A_304, %dma_start3A_305] : memref<2x128x128xf32, #tpu.memory_space<vmem>> -> memref<1x128x128xf32, #tpu.memory_space<vmem>>
      %dma_start3A_307 = tpu.memref_squeeze %dma_start3A_306 : memref<1x128x128xf32, #tpu.memory_space<vmem>> -> memref<128x128xf32, #tpu.memory_space<vmem>>
      %dma_start3A_308 = arith.constant 0 : i32
      %dma_start3A_309 = tpu.memref_slice %arg6[%add3A_301, %dma_start3A_302, %dma_start3A_308] : memref<40x2x128xi32, #tpu.memory_space<vmem>> -> memref<1x1x128xi32, #tpu.memory_space<vmem>>
      %dma_start3A_310 = tpu.memref_squeeze %dma_start3A_309 : memref<1x1x128xi32, #tpu.memory_space<vmem>> -> memref<128xi32, #tpu.memory_space<vmem>>
      %dma_start3A_311 = arith.constant 0 : i32
      %dma_start3A_312 = arith.constant 0 : i32
      %dma_start3A_313 = tpu.memref_slice %arg2[%dma_start3A_311, %dma_start3A_312] : memref<10240x128xf32, #tpu.memory_space<hbm>> -> memref<10240x128xf32, #tpu.memory_space<hbm>>
      tpu.enqueue_indirect_dma source(%dma_start3A_313 : memref<10240x128xf32, #tpu.memory_space<hbm>>) target(%dma_start3A_307 : memref<128x128xf32, #tpu.memory_space<vmem>>) offsets(%dma_start3A_310 : memref<128xi32, #tpu.memory_space<vmem>>) semaphore(%arg9 : memref<!tpu.dma_semaphore, #tpu.memory_space<semaphore_mem>>)
      %add3A_314 = arith.constant 1 : i32
      %add3A_315 = arith.addi %add3A_227, %add3A_314 : i32
      %dma_wait3A_316 = arith.constant 1 : i32
      %dma_wait3A_317 = arith.constant 1 : i32
      %dma_wait3A_318 = arith.constant 0 : i32
      %dma_wait3A_319 = arith.constant 0 : i32
      %dma_wait3A_320 = tpu.memref_slice %arg7[%dma_wait3A_316, %dma_wait3A_318, %dma_wait3A_319] : memref<2x128x128xf32, #tpu.memory_space<vmem>> -> memref<1x128x128xf32, #tpu.memory_space<vmem>>
      %dma_wait3A_321 = tpu.memref_squeeze %dma_wait3A_320 : memref<1x128x128xf32, #tpu.memory_space<vmem>> -> memref<128x128xf32, #tpu.memory_space<vmem>>
      %dma_wait3A_322 = arith.constant 0 : i32
      %dma_wait3A_323 = tpu.memref_slice %arg6[%add3A_315, %dma_wait3A_317, %dma_wait3A_322] : memref<40x2x128xi32, #tpu.memory_space<vmem>> -> memref<1x1x128xi32, #tpu.memory_space<vmem>>
      %dma_wait3A_324 = tpu.memref_squeeze %dma_wait3A_323 : memref<1x1x128xi32, #tpu.memory_space<vmem>> -> memref<128xi32, #tpu.memory_space<vmem>>
      %dma_wait3A_325 = arith.constant 0 : i32
      %dma_wait3A_326 = arith.constant 0 : i32
      %dma_wait3A_327 = tpu.memref_slice %arg8[%dma_wait3A_325, %dma_wait3A_326] : memref<10240x128xf32, #tpu.memory_space<vmem_shared>> -> memref<10240x128xf32, #tpu.memory_space<vmem_shared>>
      tpu.wait_indirect_dma semaphore(%arg12 : memref<!tpu.dma_semaphore, #tpu.memory_space<semaphore_mem>>) src(%dma_wait3A_321 : memref<128x128xf32, #tpu.memory_space<vmem>>) dst(%dma_wait3A_327 : memref<10240x128xf32, #tpu.memory_space<vmem_shared>>)
      %add3A_328 = arith.constant 2 : i32
      %add3A_329 = arith.addi %add3A_227, %add3A_328 : i32
      %add3A_330 = arith.constant 1 : i32
      %add3A_331 = arith.addi %add3A_329, %add3A_330 : i32
      %dma_start3A_332 = arith.constant 0 : i32
      %dma_start3A_333 = arith.constant 1 : i32
      %dma_start3A_334 = arith.constant 0 : i32
      %dma_start3A_335 = arith.constant 0 : i32
      %dma_start3A_336 = tpu.memref_slice %arg7[%dma_start3A_333, %dma_start3A_334, %dma_start3A_335] : memref<2x128x128xf32, #tpu.memory_space<vmem>> -> memref<1x128x128xf32, #tpu.memory_space<vmem>>
      %dma_start3A_337 = tpu.memref_squeeze %dma_start3A_336 : memref<1x128x128xf32, #tpu.memory_space<vmem>> -> memref<128x128xf32, #tpu.memory_space<vmem>>
      %dma_start3A_338 = arith.constant 0 : i32
      %dma_start3A_339 = tpu.memref_slice %arg6[%add3A_331, %dma_start3A_332, %dma_start3A_338] : memref<40x2x128xi32, #tpu.memory_space<vmem>> -> memref<1x1x128xi32, #tpu.memory_space<vmem>>
      %dma_start3A_340 = tpu.memref_squeeze %dma_start3A_339 : memref<1x1x128xi32, #tpu.memory_space<vmem>> -> memref<128xi32, #tpu.memory_space<vmem>>
      %dma_start3A_341 = arith.constant 0 : i32
      %dma_start3A_342 = arith.constant 0 : i32
      %dma_start3A_343 = tpu.memref_slice %arg2[%dma_start3A_341, %dma_start3A_342] : memref<10240x128xf32, #tpu.memory_space<hbm>> -> memref<10240x128xf32, #tpu.memory_space<hbm>>
      tpu.enqueue_indirect_dma source(%dma_start3A_343 : memref<10240x128xf32, #tpu.memory_space<hbm>>) target(%dma_start3A_337 : memref<128x128xf32, #tpu.memory_space<vmem>>) offsets(%dma_start3A_340 : memref<128xi32, #tpu.memory_space<vmem>>) semaphore(%arg10 : memref<!tpu.dma_semaphore, #tpu.memory_space<semaphore_mem>>)
    }
    %scan3A_31 = arith.constant 19 : i32
    %dma_wait3A = arith.constant 38 : i32
    %dma_wait3A_32 = arith.constant 0 : i32
    %dma_wait3A_33 = arith.constant 0 : i32
    %dma_wait3A_34 = arith.constant 0 : i32
    %dma_wait3A_35 = arith.constant 0 : i32
    %dma_wait3A_36 = tpu.memref_slice %arg7[%dma_wait3A_33, %dma_wait3A_34, %dma_wait3A_35] : memref<2x128x128xf32, #tpu.memory_space<vmem>> -> memref<1x128x128xf32, #tpu.memory_space<vmem>>
    %dma_wait3A_37 = tpu.memref_squeeze %dma_wait3A_36 : memref<1x128x128xf32, #tpu.memory_space<vmem>> -> memref<128x128xf32, #tpu.memory_space<vmem>>
    %dma_wait3A_38 = arith.constant 0 : i32
    %dma_wait3A_39 = tpu.memref_slice %arg6[%dma_wait3A, %dma_wait3A_32, %dma_wait3A_38] : memref<40x2x128xi32, #tpu.memory_space<vmem>> -> memref<1x1x128xi32, #tpu.memory_space<vmem>>
    %dma_wait3A_40 = tpu.memref_squeeze %dma_wait3A_39 : memref<1x1x128xi32, #tpu.memory_space<vmem>> -> memref<128xi32, #tpu.memory_space<vmem>>
    %dma_wait3A_41 = arith.constant 0 : i32
    %dma_wait3A_42 = arith.constant 0 : i32
    %dma_wait3A_43 = tpu.memref_slice %arg2[%dma_wait3A_41, %dma_wait3A_42] : memref<10240x128xf32, #tpu.memory_space<hbm>> -> memref<10240x128xf32, #tpu.memory_space<hbm>>
    tpu.wait_indirect_dma semaphore(%arg9 : memref<!tpu.dma_semaphore, #tpu.memory_space<semaphore_mem>>) src(%dma_wait3A_43 : memref<10240x128xf32, #tpu.memory_space<hbm>>) dst(%dma_wait3A_37 : memref<128x128xf32, #tpu.memory_space<vmem>>)
    %dma_start3A_44 = arith.constant 0 : i32
    %dma_start3A_45 = arith.constant 38 : i32
    %dma_start3A_46 = arith.constant 1 : i32
    %dma_start3A_47 = arith.constant 0 : i32
    %dma_start3A_48 = arith.constant 0 : i32
    %dma_start3A_49 = tpu.memref_slice %arg7[%dma_start3A_44, %dma_start3A_47, %dma_start3A_48] : memref<2x128x128xf32, #tpu.memory_space<vmem>> -> memref<1x128x128xf32, #tpu.memory_space<vmem>>
    %dma_start3A_50 = tpu.memref_squeeze %dma_start3A_49 : memref<1x128x128xf32, #tpu.memory_space<vmem>> -> memref<128x128xf32, #tpu.memory_space<vmem>>
    %dma_start3A_51 = arith.constant 0 : i32
    %dma_start3A_52 = tpu.memref_slice %arg6[%dma_start3A_45, %dma_start3A_46, %dma_start3A_51] : memref<40x2x128xi32, #tpu.memory_space<vmem>> -> memref<1x1x128xi32, #tpu.memory_space<vmem>>
    %dma_start3A_53 = tpu.memref_squeeze %dma_start3A_52 : memref<1x1x128xi32, #tpu.memory_space<vmem>> -> memref<128xi32, #tpu.memory_space<vmem>>
    %dma_start3A_54 = arith.constant 0 : i32
    %dma_start3A_55 = arith.constant 0 : i32
    %dma_start3A_56 = tpu.memref_slice %arg8[%dma_start3A_54, %dma_start3A_55] : memref<10240x128xf32, #tpu.memory_space<vmem_shared>> -> memref<10240x128xf32, #tpu.memory_space<vmem_shared>>
    tpu.enqueue_indirect_dma source(%dma_start3A_50 : memref<128x128xf32, #tpu.memory_space<vmem>>) target(%dma_start3A_56 : memref<10240x128xf32, #tpu.memory_space<vmem_shared>>) offsets(%dma_start3A_53 : memref<128xi32, #tpu.memory_space<vmem>>) semaphore(%arg11 : memref<!tpu.dma_semaphore, #tpu.memory_space<semaphore_mem>>) {add = true}
    %dma_wait3A_57 = arith.constant 39 : i32
    %dma_wait3A_58 = arith.constant 0 : i32
    %dma_wait3A_59 = arith.constant 1 : i32
    %dma_wait3A_60 = arith.constant 0 : i32
    %dma_wait3A_61 = arith.constant 0 : i32
    %dma_wait3A_62 = tpu.memref_slice %arg7[%dma_wait3A_59, %dma_wait3A_60, %dma_wait3A_61] : memref<2x128x128xf32, #tpu.memory_space<vmem>> -> memref<1x128x128xf32, #tpu.memory_space<vmem>>
    %dma_wait3A_63 = tpu.memref_squeeze %dma_wait3A_62 : memref<1x128x128xf32, #tpu.memory_space<vmem>> -> memref<128x128xf32, #tpu.memory_space<vmem>>
    %dma_wait3A_64 = arith.constant 0 : i32
    %dma_wait3A_65 = tpu.memref_slice %arg6[%dma_wait3A_57, %dma_wait3A_58, %dma_wait3A_64] : memref<40x2x128xi32, #tpu.memory_space<vmem>> -> memref<1x1x128xi32, #tpu.memory_space<vmem>>
    %dma_wait3A_66 = tpu.memref_squeeze %dma_wait3A_65 : memref<1x1x128xi32, #tpu.memory_space<vmem>> -> memref<128xi32, #tpu.memory_space<vmem>>
    %dma_wait3A_67 = arith.constant 0 : i32
    %dma_wait3A_68 = arith.constant 0 : i32
    %dma_wait3A_69 = tpu.memref_slice %arg2[%dma_wait3A_67, %dma_wait3A_68] : memref<10240x128xf32, #tpu.memory_space<hbm>> -> memref<10240x128xf32, #tpu.memory_space<hbm>>
    tpu.wait_indirect_dma semaphore(%arg10 : memref<!tpu.dma_semaphore, #tpu.memory_space<semaphore_mem>>) src(%dma_wait3A_69 : memref<10240x128xf32, #tpu.memory_space<hbm>>) dst(%dma_wait3A_63 : memref<128x128xf32, #tpu.memory_space<vmem>>)
    %dma_start3A_70 = arith.constant 1 : i32
    %dma_start3A_71 = arith.constant 39 : i32
    %dma_start3A_72 = arith.constant 1 : i32
    %dma_start3A_73 = arith.constant 0 : i32
    %dma_start3A_74 = arith.constant 0 : i32
    %dma_start3A_75 = tpu.memref_slice %arg7[%dma_start3A_70, %dma_start3A_73, %dma_start3A_74] : memref<2x128x128xf32, #tpu.memory_space<vmem>> -> memref<1x128x128xf32, #tpu.memory_space<vmem>>
    %dma_start3A_76 = tpu.memref_squeeze %dma_start3A_75 : memref<1x128x128xf32, #tpu.memory_space<vmem>> -> memref<128x128xf32, #tpu.memory_space<vmem>>
    %dma_start3A_77 = arith.constant 0 : i32
    %dma_start3A_78 = tpu.memref_slice %arg6[%dma_start3A_71, %dma_start3A_72, %dma_start3A_77] : memref<40x2x128xi32, #tpu.memory_space<vmem>> -> memref<1x1x128xi32, #tpu.memory_space<vmem>>
    %dma_start3A_79 = tpu.memref_squeeze %dma_start3A_78 : memref<1x1x128xi32, #tpu.memory_space<vmem>> -> memref<128xi32, #tpu.memory_space<vmem>>
    %dma_start3A_80 = arith.constant 0 : i32
    %dma_start3A_81 = arith.constant 0 : i32
    %dma_start3A_82 = tpu.memref_slice %arg8[%dma_start3A_80, %dma_start3A_81] : memref<10240x128xf32, #tpu.memory_space<vmem_shared>> -> memref<10240x128xf32, #tpu.memory_space<vmem_shared>>
    tpu.enqueue_indirect_dma source(%dma_start3A_76 : memref<128x128xf32, #tpu.memory_space<vmem>>) target(%dma_start3A_82 : memref<10240x128xf32, #tpu.memory_space<vmem_shared>>) offsets(%dma_start3A_79 : memref<128xi32, #tpu.memory_space<vmem>>) semaphore(%arg12 : memref<!tpu.dma_semaphore, #tpu.memory_space<semaphore_mem>>) {add = true}
    %dma_wait3A_83 = arith.constant 0 : i32
    %dma_wait3A_84 = arith.constant 38 : i32
    %dma_wait3A_85 = arith.constant 1 : i32
    %dma_wait3A_86 = arith.constant 0 : i32
    %dma_wait3A_87 = arith.constant 0 : i32
    %dma_wait3A_88 = tpu.memref_slice %arg7[%dma_wait3A_83, %dma_wait3A_86, %dma_wait3A_87] : memref<2x128x128xf32, #tpu.memory_space<vmem>> -> memref<1x128x128xf32, #tpu.memory_space<vmem>>
    %dma_wait3A_89 = tpu.memref_squeeze %dma_wait3A_88 : memref<1x128x128xf32, #tpu.memory_space<vmem>> -> memref<128x128xf32, #tpu.memory_space<vmem>>
    %dma_wait3A_90 = arith.constant 0 : i32
    %dma_wait3A_91 = tpu.memref_slice %arg6[%dma_wait3A_84, %dma_wait3A_85, %dma_wait3A_90] : memref<40x2x128xi32, #tpu.memory_space<vmem>> -> memref<1x1x128xi32, #tpu.memory_space<vmem>>
    %dma_wait3A_92 = tpu.memref_squeeze %dma_wait3A_91 : memref<1x1x128xi32, #tpu.memory_space<vmem>> -> memref<128xi32, #tpu.memory_space<vmem>>
    %dma_wait3A_93 = arith.constant 0 : i32
    %dma_wait3A_94 = arith.constant 0 : i32
    %dma_wait3A_95 = tpu.memref_slice %arg8[%dma_wait3A_93, %dma_wait3A_94] : memref<10240x128xf32, #tpu.memory_space<vmem_shared>> -> memref<10240x128xf32, #tpu.memory_space<vmem_shared>>
    tpu.wait_indirect_dma semaphore(%arg11 : memref<!tpu.dma_semaphore, #tpu.memory_space<semaphore_mem>>) src(%dma_wait3A_89 : memref<128x128xf32, #tpu.memory_space<vmem>>) dst(%dma_wait3A_95 : memref<10240x128xf32, #tpu.memory_space<vmem_shared>>)
    %dma_wait3A_96 = arith.constant 1 : i32
    %dma_wait3A_97 = arith.constant 39 : i32
    %dma_wait3A_98 = arith.constant 1 : i32
    %dma_wait3A_99 = arith.constant 0 : i32
    %dma_wait3A_100 = arith.constant 0 : i32
    %dma_wait3A_101 = tpu.memref_slice %arg7[%dma_wait3A_96, %dma_wait3A_99, %dma_wait3A_100] : memref<2x128x128xf32, #tpu.memory_space<vmem>> -> memref<1x128x128xf32, #tpu.memory_space<vmem>>
    %dma_wait3A_102 = tpu.memref_squeeze %dma_wait3A_101 : memref<1x128x128xf32, #tpu.memory_space<vmem>> -> memref<128x128xf32, #tpu.memory_space<vmem>>
    %dma_wait3A_103 = arith.constant 0 : i32
    %dma_wait3A_104 = tpu.memref_slice %arg6[%dma_wait3A_97, %dma_wait3A_98, %dma_wait3A_103] : memref<40x2x128xi32, #tpu.memory_space<vmem>> -> memref<1x1x128xi32, #tpu.memory_space<vmem>>
    %dma_wait3A_105 = tpu.memref_squeeze %dma_wait3A_104 : memref<1x1x128xi32, #tpu.memory_space<vmem>> -> memref<128xi32, #tpu.memory_space<vmem>>
    %dma_wait3A_106 = arith.constant 0 : i32
    %dma_wait3A_107 = arith.constant 0 : i32
    %dma_wait3A_108 = tpu.memref_slice %arg8[%dma_wait3A_106, %dma_wait3A_107] : memref<10240x128xf32, #tpu.memory_space<vmem_shared>> -> memref<10240x128xf32, #tpu.memory_space<vmem_shared>>
    tpu.wait_indirect_dma semaphore(%arg12 : memref<!tpu.dma_semaphore, #tpu.memory_space<semaphore_mem>>) src(%dma_wait3A_102 : memref<128x128xf32, #tpu.memory_space<vmem>>) dst(%dma_wait3A_108 : memref<10240x128xf32, #tpu.memory_space<vmem_shared>>)
    "tpu.region"() ({
      %run_scoped3A = tpu.sem_alloc : memref<!tpu.dma_semaphore, #tpu.memory_space<semaphore_mem>>
      %dma_start3A_223 = arith.constant 40 : i32
      %dma_start3A_224 = arith.constant 0 : i32
      %dma_start3A_225 = arith.constant 0 : i32
      %dma_start3A_226 = tpu.memref_slice %arg3[%add3A, %dma_start3A_223, %dma_start3A_224, %dma_start3A_225] : memref<32x80x2x128xi32, #tpu.memory_space<hbm>> -> memref<1x40x2x128xi32, #tpu.memory_space<hbm>>
      %dma_start3A_227 = tpu.memref_squeeze %dma_start3A_226 : memref<1x40x2x128xi32, #tpu.memory_space<hbm>> -> memref<40x2x128xi32, #tpu.memory_space<hbm>>
      %dma_start3A_228 = arith.constant 40 : i32
      %dma_start3A_229 = arith.constant 0 : i32
      %dma_start3A_230 = arith.constant 0 : i32
      %dma_start3A_231 = tpu.memref_slice %arg3[%add3A, %dma_start3A_228, %dma_start3A_229, %dma_start3A_230] : memref<32x80x2x128xi32, #tpu.memory_space<hbm>> -> memref<1x40x2x128xi32, #tpu.memory_space<hbm>>
      %dma_start3A_232 = tpu.memref_squeeze %dma_start3A_231 : memref<1x40x2x128xi32, #tpu.memory_space<hbm>> -> memref<40x2x128xi32, #tpu.memory_space<hbm>>
      tpu.enqueue_dma source(%dma_start3A_232 : memref<40x2x128xi32, #tpu.memory_space<hbm>>) target(%arg6 : memref<40x2x128xi32, #tpu.memory_space<vmem>>) target_semaphore(%run_scoped3A : memref<!tpu.dma_semaphore, #tpu.memory_space<semaphore_mem>>)
      %dma_wait3A_233 = arith.constant 40 : i32
      %dma_wait3A_234 = arith.constant 0 : i32
      %dma_wait3A_235 = arith.constant 0 : i32
      %dma_wait3A_236 = tpu.memref_slice %arg3[%add3A, %dma_wait3A_233, %dma_wait3A_234, %dma_wait3A_235] : memref<32x80x2x128xi32, #tpu.memory_space<hbm>> -> memref<1x40x2x128xi32, #tpu.memory_space<hbm>>
      %dma_wait3A_237 = tpu.memref_squeeze %dma_wait3A_236 : memref<1x40x2x128xi32, #tpu.memory_space<hbm>> -> memref<40x2x128xi32, #tpu.memory_space<hbm>>
      %dma_wait3A_238 = arith.constant 40 : i32
      %dma_wait3A_239 = arith.constant 0 : i32
      %dma_wait3A_240 = arith.constant 0 : i32
      %dma_wait3A_241 = tpu.memref_slice %arg3[%add3A, %dma_wait3A_238, %dma_wait3A_239, %dma_wait3A_240] : memref<32x80x2x128xi32, #tpu.memory_space<hbm>> -> memref<1x40x2x128xi32, #tpu.memory_space<hbm>>
      %dma_wait3A_242 = tpu.memref_squeeze %dma_wait3A_241 : memref<1x40x2x128xi32, #tpu.memory_space<hbm>> -> memref<40x2x128xi32, #tpu.memory_space<hbm>>
      tpu.wait_dma2 semaphore(%run_scoped3A : memref<!tpu.dma_semaphore, #tpu.memory_space<semaphore_mem>>) src(%dma_wait3A_242 : memref<40x2x128xi32, #tpu.memory_space<hbm>>) dst(%arg6 : memref<40x2x128xi32, #tpu.memory_space<vmem>>)
      tpu.yield
    }) : () -> ()
    %dma_start3A_109 = arith.constant 0 : i32
    %dma_start3A_110 = arith.constant 0 : i32
    %dma_start3A_111 = arith.constant 0 : i32
    %dma_start3A_112 = arith.constant 0 : i32
    %dma_start3A_113 = arith.constant 0 : i32
    %dma_start3A_114 = tpu.memref_slice %arg7[%dma_start3A_111, %dma_start3A_112, %dma_start3A_113] : memref<2x128x128xf32, #tpu.memory_space<vmem>> -> memref<1x128x128xf32, #tpu.memory_space<vmem>>
    %dma_start3A_115 = tpu.memref_squeeze %dma_start3A_114 : memref<1x128x128xf32, #tpu.memory_space<vmem>> -> memref<128x128xf32, #tpu.memory_space<vmem>>
    %dma_start3A_116 = arith.constant 0 : i32
    %dma_start3A_117 = tpu.memref_slice %arg6[%dma_start3A_109, %dma_start3A_110, %dma_start3A_116] : memref<40x2x128xi32, #tpu.memory_space<vmem>> -> memref<1x1x128xi32, #tpu.memory_space<vmem>>
    %dma_start3A_118 = tpu.memref_squeeze %dma_start3A_117 : memref<1x1x128xi32, #tpu.memory_space<vmem>> -> memref<128xi32, #tpu.memory_space<vmem>>
    %dma_start3A_119 = arith.constant 0 : i32
    %dma_start3A_120 = arith.constant 0 : i32
    %dma_start3A_121 = tpu.memref_slice %arg2[%dma_start3A_119, %dma_start3A_120] : memref<10240x128xf32, #tpu.memory_space<hbm>> -> memref<10240x128xf32, #tpu.memory_space<hbm>>
    tpu.enqueue_indirect_dma source(%dma_start3A_121 : memref<10240x128xf32, #tpu.memory_space<hbm>>) target(%dma_start3A_115 : memref<128x128xf32, #tpu.memory_space<vmem>>) offsets(%dma_start3A_118 : memref<128xi32, #tpu.memory_space<vmem>>) semaphore(%arg9 : memref<!tpu.dma_semaphore, #tpu.memory_space<semaphore_mem>>)
    %dma_start3A_122 = arith.constant 1 : i32
    %dma_start3A_123 = arith.constant 0 : i32
    %dma_start3A_124 = arith.constant 1 : i32
    %dma_start3A_125 = arith.constant 0 : i32
    %dma_start3A_126 = arith.constant 0 : i32
    %dma_start3A_127 = tpu.memref_slice %arg7[%dma_start3A_124, %dma_start3A_125, %dma_start3A_126] : memref<2x128x128xf32, #tpu.memory_space<vmem>> -> memref<1x128x128xf32, #tpu.memory_space<vmem>>
    %dma_start3A_128 = tpu.memref_squeeze %dma_start3A_127 : memref<1x128x128xf32, #tpu.memory_space<vmem>> -> memref<128x128xf32, #tpu.memory_space<vmem>>
    %dma_start3A_129 = arith.constant 0 : i32
    %dma_start3A_130 = tpu.memref_slice %arg6[%dma_start3A_122, %dma_start3A_123, %dma_start3A_129] : memref<40x2x128xi32, #tpu.memory_space<vmem>> -> memref<1x1x128xi32, #tpu.memory_space<vmem>>
    %dma_start3A_131 = tpu.memref_squeeze %dma_start3A_130 : memref<1x1x128xi32, #tpu.memory_space<vmem>> -> memref<128xi32, #tpu.memory_space<vmem>>
    %dma_start3A_132 = arith.constant 0 : i32
    %dma_start3A_133 = arith.constant 0 : i32
    %dma_start3A_134 = tpu.memref_slice %arg2[%dma_start3A_132, %dma_start3A_133] : memref<10240x128xf32, #tpu.memory_space<hbm>> -> memref<10240x128xf32, #tpu.memory_space<hbm>>
    tpu.enqueue_indirect_dma source(%dma_start3A_134 : memref<10240x128xf32, #tpu.memory_space<hbm>>) target(%dma_start3A_128 : memref<128x128xf32, #tpu.memory_space<vmem>>) offsets(%dma_start3A_131 : memref<128xi32, #tpu.memory_space<vmem>>) semaphore(%arg10 : memref<!tpu.dma_semaphore, #tpu.memory_space<semaphore_mem>>)
    %scan3A_135 = arith.constant 0 : i32
    %scan3A_136 = arith.constant 19 : i32
    %scan3A_137 = arith.addi %scan3A_135, %scan3A_136 : i32
    %scan3A_138 = arith.constant 1 : i32
    scf.for %scan3A_223 = %scan3A_135 to %scan3A_137 step %scan3A_138  : i32 {
      %mul3A_224 = arith.constant 2 : i32
      %mul3A_225 = arith.muli %scan3A_223, %mul3A_224 : i32
      %add3A_226 = arith.constant 0 : i32
      %add3A_227 = arith.addi %add3A_226, %mul3A_225 : i32
      %add3A_228 = arith.constant 0 : i32
      %add3A_229 = arith.addi %add3A_227, %add3A_228 : i32
      %dma_wait3A_230 = arith.constant 0 : i32
      %dma_wait3A_231 = arith.constant 0 : i32
      %dma_wait3A_232 = arith.constant 0 : i32
      %dma_wait3A_233 = arith.constant 0 : i32
      %dma_wait3A_234 = tpu.memref_slice %arg7[%dma_wait3A_231, %dma_wait3A_232, %dma_wait3A_233] : memref<2x128x128xf32, #tpu.memory_space<vmem>> -> memref<1x128x128xf32, #tpu.memory_space<vmem>>
      %dma_wait3A_235 = tpu.memref_squeeze %dma_wait3A_234 : memref<1x128x128xf32, #tpu.memory_space<vmem>> -> memref<128x128xf32, #tpu.memory_space<vmem>>
      %dma_wait3A_236 = arith.constant 0 : i32
      %dma_wait3A_237 = tpu.memref_slice %arg6[%add3A_229, %dma_wait3A_230, %dma_wait3A_236] : memref<40x2x128xi32, #tpu.memory_space<vmem>> -> memref<1x1x128xi32, #tpu.memory_space<vmem>>
      %dma_wait3A_238 = tpu.memref_squeeze %dma_wait3A_237 : memref<1x1x128xi32, #tpu.memory_space<vmem>> -> memref<128xi32, #tpu.memory_space<vmem>>
      %dma_wait3A_239 = arith.constant 0 : i32
      %dma_wait3A_240 = arith.constant 0 : i32
      %dma_wait3A_241 = tpu.memref_slice %arg2[%dma_wait3A_239, %dma_wait3A_240] : memref<10240x128xf32, #tpu.memory_space<hbm>> -> memref<10240x128xf32, #tpu.memory_space<hbm>>
      tpu.wait_indirect_dma semaphore(%arg9 : memref<!tpu.dma_semaphore, #tpu.memory_space<semaphore_mem>>) src(%dma_wait3A_241 : memref<10240x128xf32, #tpu.memory_space<hbm>>) dst(%dma_wait3A_235 : memref<128x128xf32, #tpu.memory_space<vmem>>)
      %add3A_242 = arith.constant 0 : i32
      %add3A_243 = arith.addi %add3A_227, %add3A_242 : i32
      %dma_start3A_244 = arith.constant 0 : i32
      %dma_start3A_245 = arith.constant 1 : i32
      %dma_start3A_246 = arith.constant 0 : i32
      %dma_start3A_247 = arith.constant 0 : i32
      %dma_start3A_248 = tpu.memref_slice %arg7[%dma_start3A_244, %dma_start3A_246, %dma_start3A_247] : memref<2x128x128xf32, #tpu.memory_space<vmem>> -> memref<1x128x128xf32, #tpu.memory_space<vmem>>
      %dma_start3A_249 = tpu.memref_squeeze %dma_start3A_248 : memref<1x128x128xf32, #tpu.memory_space<vmem>> -> memref<128x128xf32, #tpu.memory_space<vmem>>
      %dma_start3A_250 = arith.constant 0 : i32
      %dma_start3A_251 = tpu.memref_slice %arg6[%add3A_243, %dma_start3A_245, %dma_start3A_250] : memref<40x2x128xi32, #tpu.memory_space<vmem>> -> memref<1x1x128xi32, #tpu.memory_space<vmem>>
      %dma_start3A_252 = tpu.memref_squeeze %dma_start3A_251 : memref<1x1x128xi32, #tpu.memory_space<vmem>> -> memref<128xi32, #tpu.memory_space<vmem>>
      %dma_start3A_253 = arith.constant 0 : i32
      %dma_start3A_254 = arith.constant 0 : i32
      %dma_start3A_255 = tpu.memref_slice %arg8[%dma_start3A_253, %dma_start3A_254] : memref<10240x128xf32, #tpu.memory_space<vmem_shared>> -> memref<10240x128xf32, #tpu.memory_space<vmem_shared>>
      tpu.enqueue_indirect_dma source(%dma_start3A_249 : memref<128x128xf32, #tpu.memory_space<vmem>>) target(%dma_start3A_255 : memref<10240x128xf32, #tpu.memory_space<vmem_shared>>) offsets(%dma_start3A_252 : memref<128xi32, #tpu.memory_space<vmem>>) semaphore(%arg11 : memref<!tpu.dma_semaphore, #tpu.memory_space<semaphore_mem>>) {add = true}
      %add3A_256 = arith.constant 1 : i32
      %add3A_257 = arith.addi %add3A_227, %add3A_256 : i32
      %dma_wait3A_258 = arith.constant 0 : i32
      %dma_wait3A_259 = arith.constant 1 : i32
      %dma_wait3A_260 = arith.constant 0 : i32
      %dma_wait3A_261 = arith.constant 0 : i32
      %dma_wait3A_262 = tpu.memref_slice %arg7[%dma_wait3A_259, %dma_wait3A_260, %dma_wait3A_261] : memref<2x128x128xf32, #tpu.memory_space<vmem>> -> memref<1x128x128xf32, #tpu.memory_space<vmem>>
      %dma_wait3A_263 = tpu.memref_squeeze %dma_wait3A_262 : memref<1x128x128xf32, #tpu.memory_space<vmem>> -> memref<128x128xf32, #tpu.memory_space<vmem>>
      %dma_wait3A_264 = arith.constant 0 : i32
      %dma_wait3A_265 = tpu.memref_slice %arg6[%add3A_257, %dma_wait3A_258, %dma_wait3A_264] : memref<40x2x128xi32, #tpu.memory_space<vmem>> -> memref<1x1x128xi32, #tpu.memory_space<vmem>>
      %dma_wait3A_266 = tpu.memref_squeeze %dma_wait3A_265 : memref<1x1x128xi32, #tpu.memory_space<vmem>> -> memref<128xi32, #tpu.memory_space<vmem>>
      %dma_wait3A_267 = arith.constant 0 : i32
      %dma_wait3A_268 = arith.constant 0 : i32
      %dma_wait3A_269 = tpu.memref_slice %arg2[%dma_wait3A_267, %dma_wait3A_268] : memref<10240x128xf32, #tpu.memory_space<hbm>> -> memref<10240x128xf32, #tpu.memory_space<hbm>>
      tpu.wait_indirect_dma semaphore(%arg10 : memref<!tpu.dma_semaphore, #tpu.memory_space<semaphore_mem>>) src(%dma_wait3A_269 : memref<10240x128xf32, #tpu.memory_space<hbm>>) dst(%dma_wait3A_263 : memref<128x128xf32, #tpu.memory_space<vmem>>)
      %add3A_270 = arith.constant 1 : i32
      %add3A_271 = arith.addi %add3A_227, %add3A_270 : i32
      %dma_start3A_272 = arith.constant 1 : i32
      %dma_start3A_273 = arith.constant 1 : i32
      %dma_start3A_274 = arith.constant 0 : i32
      %dma_start3A_275 = arith.constant 0 : i32
      %dma_start3A_276 = tpu.memref_slice %arg7[%dma_start3A_272, %dma_start3A_274, %dma_start3A_275] : memref<2x128x128xf32, #tpu.memory_space<vmem>> -> memref<1x128x128xf32, #tpu.memory_space<vmem>>
      %dma_start3A_277 = tpu.memref_squeeze %dma_start3A_276 : memref<1x128x128xf32, #tpu.memory_space<vmem>> -> memref<128x128xf32, #tpu.memory_space<vmem>>
      %dma_start3A_278 = arith.constant 0 : i32
      %dma_start3A_279 = tpu.memref_slice %arg6[%add3A_271, %dma_start3A_273, %dma_start3A_278] : memref<40x2x128xi32, #tpu.memory_space<vmem>> -> memref<1x1x128xi32, #tpu.memory_space<vmem>>
      %dma_start3A_280 = tpu.memref_squeeze %dma_start3A_279 : memref<1x1x128xi32, #tpu.memory_space<vmem>> -> memref<128xi32, #tpu.memory_space<vmem>>
      %dma_start3A_281 = arith.constant 0 : i32
      %dma_start3A_282 = arith.constant 0 : i32
      %dma_start3A_283 = tpu.memref_slice %arg8[%dma_start3A_281, %dma_start3A_282] : memref<10240x128xf32, #tpu.memory_space<vmem_shared>> -> memref<10240x128xf32, #tpu.memory_space<vmem_shared>>
      tpu.enqueue_indirect_dma source(%dma_start3A_277 : memref<128x128xf32, #tpu.memory_space<vmem>>) target(%dma_start3A_283 : memref<10240x128xf32, #tpu.memory_space<vmem_shared>>) offsets(%dma_start3A_280 : memref<128xi32, #tpu.memory_space<vmem>>) semaphore(%arg12 : memref<!tpu.dma_semaphore, #tpu.memory_space<semaphore_mem>>) {add = true}
      %add3A_284 = arith.constant 0 : i32
      %add3A_285 = arith.addi %add3A_227, %add3A_284 : i32
      %dma_wait3A_286 = arith.constant 0 : i32
      %dma_wait3A_287 = arith.constant 1 : i32
      %dma_wait3A_288 = arith.constant 0 : i32
      %dma_wait3A_289 = arith.constant 0 : i32
      %dma_wait3A_290 = tpu.memref_slice %arg7[%dma_wait3A_286, %dma_wait3A_288, %dma_wait3A_289] : memref<2x128x128xf32, #tpu.memory_space<vmem>> -> memref<1x128x128xf32, #tpu.memory_space<vmem>>
      %dma_wait3A_291 = tpu.memref_squeeze %dma_wait3A_290 : memref<1x128x128xf32, #tpu.memory_space<vmem>> -> memref<128x128xf32, #tpu.memory_space<vmem>>
      %dma_wait3A_292 = arith.constant 0 : i32
      %dma_wait3A_293 = tpu.memref_slice %arg6[%add3A_285, %dma_wait3A_287, %dma_wait3A_292] : memref<40x2x128xi32, #tpu.memory_space<vmem>> -> memref<1x1x128xi32, #tpu.memory_space<vmem>>
      %dma_wait3A_294 = tpu.memref_squeeze %dma_wait3A_293 : memref<1x1x128xi32, #tpu.memory_space<vmem>> -> memref<128xi32, #tpu.memory_space<vmem>>
      %dma_wait3A_295 = arith.constant 0 : i32
      %dma_wait3A_296 = arith.constant 0 : i32
      %dma_wait3A_297 = tpu.memref_slice %arg8[%dma_wait3A_295, %dma_wait3A_296] : memref<10240x128xf32, #tpu.memory_space<vmem_shared>> -> memref<10240x128xf32, #tpu.memory_space<vmem_shared>>
      tpu.wait_indirect_dma semaphore(%arg11 : memref<!tpu.dma_semaphore, #tpu.memory_space<semaphore_mem>>) src(%dma_wait3A_291 : memref<128x128xf32, #tpu.memory_space<vmem>>) dst(%dma_wait3A_297 : memref<10240x128xf32, #tpu.memory_space<vmem_shared>>)
      %add3A_298 = arith.constant 2 : i32
      %add3A_299 = arith.addi %add3A_227, %add3A_298 : i32
      %add3A_300 = arith.constant 0 : i32
      %add3A_301 = arith.addi %add3A_299, %add3A_300 : i32
      %dma_start3A_302 = arith.constant 0 : i32
      %dma_start3A_303 = arith.constant 0 : i32
      %dma_start3A_304 = arith.constant 0 : i32
      %dma_start3A_305 = arith.constant 0 : i32
      %dma_start3A_306 = tpu.memref_slice %arg7[%dma_start3A_303, %dma_start3A_304, %dma_start3A_305] : memref<2x128x128xf32, #tpu.memory_space<vmem>> -> memref<1x128x128xf32, #tpu.memory_space<vmem>>
      %dma_start3A_307 = tpu.memref_squeeze %dma_start3A_306 : memref<1x128x128xf32, #tpu.memory_space<vmem>> -> memref<128x128xf32, #tpu.memory_space<vmem>>
      %dma_start3A_308 = arith.constant 0 : i32
      %dma_start3A_309 = tpu.memref_slice %arg6[%add3A_301, %dma_start3A_302, %dma_start3A_308] : memref<40x2x128xi32, #tpu.memory_space<vmem>> -> memref<1x1x128xi32, #tpu.memory_space<vmem>>
      %dma_start3A_310 = tpu.memref_squeeze %dma_start3A_309 : memref<1x1x128xi32, #tpu.memory_space<vmem>> -> memref<128xi32, #tpu.memory_space<vmem>>
      %dma_start3A_311 = arith.constant 0 : i32
      %dma_start3A_312 = arith.constant 0 : i32
      %dma_start3A_313 = tpu.memref_slice %arg2[%dma_start3A_311, %dma_start3A_312] : memref<10240x128xf32, #tpu.memory_space<hbm>> -> memref<10240x128xf32, #tpu.memory_space<hbm>>
      tpu.enqueue_indirect_dma source(%dma_start3A_313 : memref<10240x128xf32, #tpu.memory_space<hbm>>) target(%dma_start3A_307 : memref<128x128xf32, #tpu.memory_space<vmem>>) offsets(%dma_start3A_310 : memref<128xi32, #tpu.memory_space<vmem>>) semaphore(%arg9 : memref<!tpu.dma_semaphore, #tpu.memory_space<semaphore_mem>>)
      %add3A_314 = arith.constant 1 : i32
      %add3A_315 = arith.addi %add3A_227, %add3A_314 : i32
      %dma_wait3A_316 = arith.constant 1 : i32
      %dma_wait3A_317 = arith.constant 1 : i32
      %dma_wait3A_318 = arith.constant 0 : i32
      %dma_wait3A_319 = arith.constant 0 : i32
      %dma_wait3A_320 = tpu.memref_slice %arg7[%dma_wait3A_316, %dma_wait3A_318, %dma_wait3A_319] : memref<2x128x128xf32, #tpu.memory_space<vmem>> -> memref<1x128x128xf32, #tpu.memory_space<vmem>>
      %dma_wait3A_321 = tpu.memref_squeeze %dma_wait3A_320 : memref<1x128x128xf32, #tpu.memory_space<vmem>> -> memref<128x128xf32, #tpu.memory_space<vmem>>
      %dma_wait3A_322 = arith.constant 0 : i32
      %dma_wait3A_323 = tpu.memref_slice %arg6[%add3A_315, %dma_wait3A_317, %dma_wait3A_322] : memref<40x2x128xi32, #tpu.memory_space<vmem>> -> memref<1x1x128xi32, #tpu.memory_space<vmem>>
      %dma_wait3A_324 = tpu.memref_squeeze %dma_wait3A_323 : memref<1x1x128xi32, #tpu.memory_space<vmem>> -> memref<128xi32, #tpu.memory_space<vmem>>
      %dma_wait3A_325 = arith.constant 0 : i32
      %dma_wait3A_326 = arith.constant 0 : i32
      %dma_wait3A_327 = tpu.memref_slice %arg8[%dma_wait3A_325, %dma_wait3A_326] : memref<10240x128xf32, #tpu.memory_space<vmem_shared>> -> memref<10240x128xf32, #tpu.memory_space<vmem_shared>>
      tpu.wait_indirect_dma semaphore(%arg12 : memref<!tpu.dma_semaphore, #tpu.memory_space<semaphore_mem>>) src(%dma_wait3A_321 : memref<128x128xf32, #tpu.memory_space<vmem>>) dst(%dma_wait3A_327 : memref<10240x128xf32, #tpu.memory_space<vmem_shared>>)
      %add3A_328 = arith.constant 2 : i32
      %add3A_329 = arith.addi %add3A_227, %add3A_328 : i32
      %add3A_330 = arith.constant 1 : i32
      %add3A_331 = arith.addi %add3A_329, %add3A_330 : i32
      %dma_start3A_332 = arith.constant 0 : i32
      %dma_start3A_333 = arith.constant 1 : i32
      %dma_start3A_334 = arith.constant 0 : i32
      %dma_start3A_335 = arith.constant 0 : i32
      %dma_start3A_336 = tpu.memref_slice %arg7[%dma_start3A_333, %dma_start3A_334, %dma_start3A_335] : memref<2x128x128xf32, #tpu.memory_space<vmem>> -> memref<1x128x128xf32, #tpu.memory_space<vmem>>
      %dma_start3A_337 = tpu.memref_squeeze %dma_start3A_336 : memref<1x128x128xf32, #tpu.memory_space<vmem>> -> memref<128x128xf32, #tpu.memory_space<vmem>>
      %dma_start3A_338 = arith.constant 0 : i32
      %dma_start3A_339 = tpu.memref_slice %arg6[%add3A_331, %dma_start3A_332, %dma_start3A_338] : memref<40x2x128xi32, #tpu.memory_space<vmem>> -> memref<1x1x128xi32, #tpu.memory_space<vmem>>
      %dma_start3A_340 = tpu.memref_squeeze %dma_start3A_339 : memref<1x1x128xi32, #tpu.memory_space<vmem>> -> memref<128xi32, #tpu.memory_space<vmem>>
      %dma_start3A_341 = arith.constant 0 : i32
      %dma_start3A_342 = arith.constant 0 : i32
      %dma_start3A_343 = tpu.memref_slice %arg2[%dma_start3A_341, %dma_start3A_342] : memref<10240x128xf32, #tpu.memory_space<hbm>> -> memref<10240x128xf32, #tpu.memory_space<hbm>>
      tpu.enqueue_indirect_dma source(%dma_start3A_343 : memref<10240x128xf32, #tpu.memory_space<hbm>>) target(%dma_start3A_337 : memref<128x128xf32, #tpu.memory_space<vmem>>) offsets(%dma_start3A_340 : memref<128xi32, #tpu.memory_space<vmem>>) semaphore(%arg10 : memref<!tpu.dma_semaphore, #tpu.memory_space<semaphore_mem>>)
    }
    %scan3A_139 = arith.constant 19 : i32
    %dma_wait3A_140 = arith.constant 38 : i32
    %dma_wait3A_141 = arith.constant 0 : i32
    %dma_wait3A_142 = arith.constant 0 : i32
    %dma_wait3A_143 = arith.constant 0 : i32
    %dma_wait3A_144 = arith.constant 0 : i32
    %dma_wait3A_145 = tpu.memref_slice %arg7[%dma_wait3A_142, %dma_wait3A_143, %dma_wait3A_144] : memref<2x128x128xf32, #tpu.memory_space<vmem>> -> memref<1x128x128xf32, #tpu.memory_space<vmem>>
    %dma_wait3A_146 = tpu.memref_squeeze %dma_wait3A_145 : memref<1x128x128xf32, #tpu.memory_space<vmem>> -> memref<128x128xf32, #tpu.memory_space<vmem>>
    %dma_wait3A_147 = arith.constant 0 : i32
    %dma_wait3A_148 = tpu.memref_slice %arg6[%dma_wait3A_140, %dma_wait3A_141, %dma_wait3A_147] : memref<40x2x128xi32, #tpu.memory_space<vmem>> -> memref<1x1x128xi32, #tpu.memory_space<vmem>>
    %dma_wait3A_149 = tpu.memref_squeeze %dma_wait3A_148 : memref<1x1x128xi32, #tpu.memory_space<vmem>> -> memref<128xi32, #tpu.memory_space<vmem>>
    %dma_wait3A_150 = arith.constant 0 : i32
    %dma_wait3A_151 = arith.constant 0 : i32
    %dma_wait3A_152 = tpu.memref_slice %arg2[%dma_wait3A_150, %dma_wait3A_151] : memref<10240x128xf32, #tpu.memory_space<hbm>> -> memref<10240x128xf32, #tpu.memory_space<hbm>>
    tpu.wait_indirect_dma semaphore(%arg9 : memref<!tpu.dma_semaphore, #tpu.memory_space<semaphore_mem>>) src(%dma_wait3A_152 : memref<10240x128xf32, #tpu.memory_space<hbm>>) dst(%dma_wait3A_146 : memref<128x128xf32, #tpu.memory_space<vmem>>)
    %dma_start3A_153 = arith.constant 0 : i32
    %dma_start3A_154 = arith.constant 38 : i32
    %dma_start3A_155 = arith.constant 1 : i32
    %dma_start3A_156 = arith.constant 0 : i32
    %dma_start3A_157 = arith.constant 0 : i32
    %dma_start3A_158 = tpu.memref_slice %arg7[%dma_start3A_153, %dma_start3A_156, %dma_start3A_157] : memref<2x128x128xf32, #tpu.memory_space<vmem>> -> memref<1x128x128xf32, #tpu.memory_space<vmem>>
    %dma_start3A_159 = tpu.memref_squeeze %dma_start3A_158 : memref<1x128x128xf32, #tpu.memory_space<vmem>> -> memref<128x128xf32, #tpu.memory_space<vmem>>
    %dma_start3A_160 = arith.constant 0 : i32
    %dma_start3A_161 = tpu.memref_slice %arg6[%dma_start3A_154, %dma_start3A_155, %dma_start3A_160] : memref<40x2x128xi32, #tpu.memory_space<vmem>> -> memref<1x1x128xi32, #tpu.memory_space<vmem>>
    %dma_start3A_162 = tpu.memref_squeeze %dma_start3A_161 : memref<1x1x128xi32, #tpu.memory_space<vmem>> -> memref<128xi32, #tpu.memory_space<vmem>>
    %dma_start3A_163 = arith.constant 0 : i32
    %dma_start3A_164 = arith.constant 0 : i32
    %dma_start3A_165 = tpu.memref_slice %arg8[%dma_start3A_163, %dma_start3A_164] : memref<10240x128xf32, #tpu.memory_space<vmem_shared>> -> memref<10240x128xf32, #tpu.memory_space<vmem_shared>>
    tpu.enqueue_indirect_dma source(%dma_start3A_159 : memref<128x128xf32, #tpu.memory_space<vmem>>) target(%dma_start3A_165 : memref<10240x128xf32, #tpu.memory_space<vmem_shared>>) offsets(%dma_start3A_162 : memref<128xi32, #tpu.memory_space<vmem>>) semaphore(%arg11 : memref<!tpu.dma_semaphore, #tpu.memory_space<semaphore_mem>>) {add = true}
    %dma_wait3A_166 = arith.constant 39 : i32
    %dma_wait3A_167 = arith.constant 0 : i32
    %dma_wait3A_168 = arith.constant 1 : i32
    %dma_wait3A_169 = arith.constant 0 : i32
    %dma_wait3A_170 = arith.constant 0 : i32
    %dma_wait3A_171 = tpu.memref_slice %arg7[%dma_wait3A_168, %dma_wait3A_169, %dma_wait3A_170] : memref<2x128x128xf32, #tpu.memory_space<vmem>> -> memref<1x128x128xf32, #tpu.memory_space<vmem>>
    %dma_wait3A_172 = tpu.memref_squeeze %dma_wait3A_171 : memref<1x128x128xf32, #tpu.memory_space<vmem>> -> memref<128x128xf32, #tpu.memory_space<vmem>>
    %dma_wait3A_173 = arith.constant 0 : i32
    %dma_wait3A_174 = tpu.memref_slice %arg6[%dma_wait3A_166, %dma_wait3A_167, %dma_wait3A_173] : memref<40x2x128xi32, #tpu.memory_space<vmem>> -> memref<1x1x128xi32, #tpu.memory_space<vmem>>
    %dma_wait3A_175 = tpu.memref_squeeze %dma_wait3A_174 : memref<1x1x128xi32, #tpu.memory_space<vmem>> -> memref<128xi32, #tpu.memory_space<vmem>>
    %dma_wait3A_176 = arith.constant 0 : i32
    %dma_wait3A_177 = arith.constant 0 : i32
    %dma_wait3A_178 = tpu.memref_slice %arg2[%dma_wait3A_176, %dma_wait3A_177] : memref<10240x128xf32, #tpu.memory_space<hbm>> -> memref<10240x128xf32, #tpu.memory_space<hbm>>
    tpu.wait_indirect_dma semaphore(%arg10 : memref<!tpu.dma_semaphore, #tpu.memory_space<semaphore_mem>>) src(%dma_wait3A_178 : memref<10240x128xf32, #tpu.memory_space<hbm>>) dst(%dma_wait3A_172 : memref<128x128xf32, #tpu.memory_space<vmem>>)
    %dma_start3A_179 = arith.constant 1 : i32
    %dma_start3A_180 = arith.constant 39 : i32
    %dma_start3A_181 = arith.constant 1 : i32
    %dma_start3A_182 = arith.constant 0 : i32
    %dma_start3A_183 = arith.constant 0 : i32
    %dma_start3A_184 = tpu.memref_slice %arg7[%dma_start3A_179, %dma_start3A_182, %dma_start3A_183] : memref<2x128x128xf32, #tpu.memory_space<vmem>> -> memref<1x128x128xf32, #tpu.memory_space<vmem>>
    %dma_start3A_185 = tpu.memref_squeeze %dma_start3A_184 : memref<1x128x128xf32, #tpu.memory_space<vmem>> -> memref<128x128xf32, #tpu.memory_space<vmem>>
    %dma_start3A_186 = arith.constant 0 : i32
    %dma_start3A_187 = tpu.memref_slice %arg6[%dma_start3A_180, %dma_start3A_181, %dma_start3A_186] : memref<40x2x128xi32, #tpu.memory_space<vmem>> -> memref<1x1x128xi32, #tpu.memory_space<vmem>>
    %dma_start3A_188 = tpu.memref_squeeze %dma_start3A_187 : memref<1x1x128xi32, #tpu.memory_space<vmem>> -> memref<128xi32, #tpu.memory_space<vmem>>
    %dma_start3A_189 = arith.constant 0 : i32
    %dma_start3A_190 = arith.constant 0 : i32
    %dma_start3A_191 = tpu.memref_slice %arg8[%dma_start3A_189, %dma_start3A_190] : memref<10240x128xf32, #tpu.memory_space<vmem_shared>> -> memref<10240x128xf32, #tpu.memory_space<vmem_shared>>
    tpu.enqueue_indirect_dma source(%dma_start3A_185 : memref<128x128xf32, #tpu.memory_space<vmem>>) target(%dma_start3A_191 : memref<10240x128xf32, #tpu.memory_space<vmem_shared>>) offsets(%dma_start3A_188 : memref<128xi32, #tpu.memory_space<vmem>>) semaphore(%arg12 : memref<!tpu.dma_semaphore, #tpu.memory_space<semaphore_mem>>) {add = true}
    %dma_wait3A_192 = arith.constant 0 : i32
    %dma_wait3A_193 = arith.constant 38 : i32
    %dma_wait3A_194 = arith.constant 1 : i32
    %dma_wait3A_195 = arith.constant 0 : i32
    %dma_wait3A_196 = arith.constant 0 : i32
    %dma_wait3A_197 = tpu.memref_slice %arg7[%dma_wait3A_192, %dma_wait3A_195, %dma_wait3A_196] : memref<2x128x128xf32, #tpu.memory_space<vmem>> -> memref<1x128x128xf32, #tpu.memory_space<vmem>>
    %dma_wait3A_198 = tpu.memref_squeeze %dma_wait3A_197 : memref<1x128x128xf32, #tpu.memory_space<vmem>> -> memref<128x128xf32, #tpu.memory_space<vmem>>
    %dma_wait3A_199 = arith.constant 0 : i32
    %dma_wait3A_200 = tpu.memref_slice %arg6[%dma_wait3A_193, %dma_wait3A_194, %dma_wait3A_199] : memref<40x2x128xi32, #tpu.memory_space<vmem>> -> memref<1x1x128xi32, #tpu.memory_space<vmem>>
    %dma_wait3A_201 = tpu.memref_squeeze %dma_wait3A_200 : memref<1x1x128xi32, #tpu.memory_space<vmem>> -> memref<128xi32, #tpu.memory_space<vmem>>
    %dma_wait3A_202 = arith.constant 0 : i32
    %dma_wait3A_203 = arith.constant 0 : i32
    %dma_wait3A_204 = tpu.memref_slice %arg8[%dma_wait3A_202, %dma_wait3A_203] : memref<10240x128xf32, #tpu.memory_space<vmem_shared>> -> memref<10240x128xf32, #tpu.memory_space<vmem_shared>>
    tpu.wait_indirect_dma semaphore(%arg11 : memref<!tpu.dma_semaphore, #tpu.memory_space<semaphore_mem>>) src(%dma_wait3A_198 : memref<128x128xf32, #tpu.memory_space<vmem>>) dst(%dma_wait3A_204 : memref<10240x128xf32, #tpu.memory_space<vmem_shared>>)
    %dma_wait3A_205 = arith.constant 1 : i32
    %dma_wait3A_206 = arith.constant 39 : i32
    %dma_wait3A_207 = arith.constant 1 : i32
    %dma_wait3A_208 = arith.constant 0 : i32
    %dma_wait3A_209 = arith.constant 0 : i32
    %dma_wait3A_210 = tpu.memref_slice %arg7[%dma_wait3A_205, %dma_wait3A_208, %dma_wait3A_209] : memref<2x128x128xf32, #tpu.memory_space<vmem>> -> memref<1x128x128xf32, #tpu.memory_space<vmem>>
    %dma_wait3A_211 = tpu.memref_squeeze %dma_wait3A_210 : memref<1x128x128xf32, #tpu.memory_space<vmem>> -> memref<128x128xf32, #tpu.memory_space<vmem>>
    %dma_wait3A_212 = arith.constant 0 : i32
    %dma_wait3A_213 = tpu.memref_slice %arg6[%dma_wait3A_206, %dma_wait3A_207, %dma_wait3A_212] : memref<40x2x128xi32, #tpu.memory_space<vmem>> -> memref<1x1x128xi32, #tpu.memory_space<vmem>>
    %dma_wait3A_214 = tpu.memref_squeeze %dma_wait3A_213 : memref<1x1x128xi32, #tpu.memory_space<vmem>> -> memref<128xi32, #tpu.memory_space<vmem>>
    %dma_wait3A_215 = arith.constant 0 : i32
    %dma_wait3A_216 = arith.constant 0 : i32
    %dma_wait3A_217 = tpu.memref_slice %arg8[%dma_wait3A_215, %dma_wait3A_216] : memref<10240x128xf32, #tpu.memory_space<vmem_shared>> -> memref<10240x128xf32, #tpu.memory_space<vmem_shared>>
    tpu.wait_indirect_dma semaphore(%arg12 : memref<!tpu.dma_semaphore, #tpu.memory_space<semaphore_mem>>) src(%dma_wait3A_211 : memref<128x128xf32, #tpu.memory_space<vmem>>) dst(%dma_wait3A_217 : memref<10240x128xf32, #tpu.memory_space<vmem_shared>>)
    %barrier3A_218 = arith.constant 0 : index
    tpu.barrier barrier_id(%barrier3A_218)
    %mul3A_219 = arith.constant 640 : i32
    %mul3A_220 = arith.muli %arg1, %mul3A_219 : i32
    %mul3A_221 = arith.constant 640 : i32
    %mul3A_222 = arith.muli %arg1, %mul3A_221 : i32
    "tpu.region"() ({
      %run_scoped3A = tpu.sem_alloc : memref<!tpu.dma_semaphore, #tpu.memory_space<semaphore_mem>>
      %dma_start3A_223 = arith.constant 0 : i32
      %dma_start3A_224 = tpu.memref_slice %arg5[%arg0, %mul3A_222, %dma_start3A_223] : memref<2x10240x128xf32, #tpu.memory_space<hbm>> -> memref<1x640x128xf32, #tpu.memory_space<hbm>>
      %dma_start3A_225 = tpu.memref_squeeze %dma_start3A_224 : memref<1x640x128xf32, #tpu.memory_space<hbm>> -> memref<640x128xf32, #tpu.memory_space<hbm>>
      %dma_start3A_226 = arith.constant 0 : i32
      %dma_start3A_227 = tpu.memref_slice %arg8[%mul3A_220, %dma_start3A_226] : memref<10240x128xf32, #tpu.memory_space<vmem_shared>> -> memref<640x128xf32, #tpu.memory_space<vmem_shared>>
      tpu.enqueue_dma source(%dma_start3A_227 : memref<640x128xf32, #tpu.memory_space<vmem_shared>>) target(%dma_start3A_225 : memref<640x128xf32, #tpu.memory_space<hbm>>) target_semaphore(%run_scoped3A : memref<!tpu.dma_semaphore, #tpu.memory_space<semaphore_mem>>)
      %dma_wait3A_228 = arith.constant 0 : i32
      %dma_wait3A_229 = tpu.memref_slice %arg5[%arg0, %mul3A_222, %dma_wait3A_228] : memref<2x10240x128xf32, #tpu.memory_space<hbm>> -> memref<1x640x128xf32, #tpu.memory_space<hbm>>
      %dma_wait3A_230 = tpu.memref_squeeze %dma_wait3A_229 : memref<1x640x128xf32, #tpu.memory_space<hbm>> -> memref<640x128xf32, #tpu.memory_space<hbm>>
      %dma_wait3A_231 = arith.constant 0 : i32
      %dma_wait3A_232 = tpu.memref_slice %arg8[%mul3A_220, %dma_wait3A_231] : memref<10240x128xf32, #tpu.memory_space<vmem_shared>> -> memref<640x128xf32, #tpu.memory_space<vmem_shared>>
      tpu.wait_dma2 semaphore(%run_scoped3A : memref<!tpu.dma_semaphore, #tpu.memory_space<semaphore_mem>>) src(%dma_wait3A_232 : memref<640x128xf32, #tpu.memory_space<vmem_shared>>) dst(%dma_wait3A_230 : memref<640x128xf32, #tpu.memory_space<hbm>>)
      tpu.yield
    }) : () -> ()
    return
  }
}

module attributes {stable_mosaic.version = 14 : i64} {
  func.func @_mm_body(%arg0: i32, %arg1: memref<1280x128xf32, #tpu.memory_space<vmem>>, %arg2: memref<128x128xf32, #tpu.memory_space<vmem>>, %arg3: memref<1280x2xf32, #tpu.memory_space<vmem>>, %arg4: memref<1280x128xf32, #tpu.memory_space<vmem>>) attributes {dimension_semantics = [#tpu.dimension_semantics<arbitrary>], iteration_bounds = array<i64: 8>, scalar_prefetch = 0 : i64, scratch_operands = 0 : i64, tpu.core_type = #tpu.core_type<tc>, window_params = [{transform_indices = @transform_0, window_bounds = array<i64: 1280, 128>}, {pipeline_mode = #tpu.pipeline_mode<synchronous>, transform_indices = @transform_1, window_bounds = array<i64: 128, 128>}, {transform_indices = @transform_2, window_bounds = array<i64: 1280, 2>}, {transform_indices = @transform_3, window_bounds = array<i64: 1280, 128>}]} {
    %get3A = arith.constant 0 : index
    %get3A_0 = arith.constant 0 : index
    %get3A_1 = vector.load %arg1[%get3A, %get3A_0] : memref<1280x128xf32, #tpu.memory_space<vmem>>, vector<1280x128xf32>
    %get3A_2 = arith.constant 0 : index
    %get3A_3 = arith.constant 0 : index
    %get3A_4 = vector.load %arg2[%get3A_2, %get3A_3] : memref<128x128xf32, #tpu.memory_space<vmem>>, vector<128x128xf32>
    %dot_general3A = arith.constant dense<0.000000e+00> : vector<1280x128xf32>
    %dot_general3A_5 = tpu.matmul %get3A_1, %get3A_4, %dot_general3A {dimension_numbers = #tpu.dot_dimension_numbers<[1], [0], [0], [1], [0, 0, 1, 1], [], []>, transpose_lhs_hint = false} : vector<1280x128xf32>, vector<128x128xf32>, vector<1280x128xf32> -> vector<1280x128xf32>
    %get3A_6 = arith.constant 0 : index
    %get3A_7 = arith.constant 0 : index
    %get3A_8 = vector.load %arg3[%get3A_6, %get3A_7] : memref<1280x2xf32, #tpu.memory_space<vmem>>, vector<1280x2xf32>
    %slice3A = vector.extract_strided_slice %get3A_8 {offsets = [0, 0], sizes = [1280, 1], strides = [1, 1]} : vector<1280x2xf32> to vector<1280x1xf32>
    %slice3A_9 = vector.extract_strided_slice %get3A_8 {offsets = [0, 1], sizes = [1280, 1], strides = [1, 1]} : vector<1280x2xf32> to vector<1280x1xf32>
    %add3A = arith.addf %slice3A, %slice3A_9 : vector<1280x1xf32>
    %add3A_10 = arith.constant 1.000000e+00 : f32
    %add3A_11 = vector.broadcast %add3A_10 : f32 to vector<1280x1xf32>
    %add3A_12 = arith.addf %add3A, %add3A_11 : vector<1280x1xf32>
    %rsqrt3A = math.rsqrt %add3A_12 : vector<1280x1xf32>
    %mul3A = vector.broadcast %rsqrt3A : vector<1280x1xf32> to vector<1280x128xf32>
    %mul3A_13 = arith.mulf %dot_general3A_5, %mul3A : vector<1280x128xf32>
    %swap3A = arith.constant 0 : index
    %swap3A_14 = arith.constant 0 : index
    %swap3A_15 = vector.load %arg4[%swap3A, %swap3A_14] : memref<1280x128xf32, #tpu.memory_space<vmem>>, vector<1280x128xf32>
    tpu.vector_store %arg4[%swap3A, %swap3A_14], %mul3A_13 {strides = array<i32>} : memref<1280x128xf32, #tpu.memory_space<vmem>>, vector<1280x128xf32>,
    return
  }
  func.func @transform_0(%arg0: i32) -> (i32, i32) {
    %c0_i32 = arith.constant 0 : i32
    %c0_i32_0 = arith.constant 0 : i32
    return %arg0, %c0_i32 : i32, i32
  }
  func.func @transform_1(%arg0: i32) -> (i32, i32) {
    %c0_i32 = arith.constant 0 : i32
    %c0_i32_0 = arith.constant 0 : i32
    %c0_i32_1 = arith.constant 0 : i32
    return %c0_i32, %c0_i32_0 : i32, i32
  }
  func.func @transform_2(%arg0: i32) -> (i32, i32) {
    %c0_i32 = arith.constant 0 : i32
    %c0_i32_0 = arith.constant 0 : i32
    return %arg0, %c0_i32 : i32, i32
  }
  func.func @transform_3(%arg0: i32) -> (i32, i32) {
    %c0_i32 = arith.constant 0 : i32
    %c0_i32_0 = arith.constant 0 : i32
    return %arg0, %c0_i32 : i32, i32
  }
}

module attributes {stable_mosaic.version = 14 : i64} {
  func.func @_fin_body(%arg0: memref<10240x128xf32, #tpu.memory_space<vmem>>, %arg1: memref<10240x128xf32, #tpu.memory_space<vmem>>, %arg2: memref<10240x128xf32, #tpu.memory_space<vmem>>, %arg3: memref<10240x2xf32, #tpu.memory_space<vmem>>, %arg4: memref<1x128xf32, #tpu.memory_space<vmem>>, %arg5: memref<1x128xf32, #tpu.memory_space<vmem>>, %arg6: memref<1x128xf32, #tpu.memory_space<vmem>>, %arg7: memref<10000x128xf32, #tpu.memory_space<vmem>>) attributes {dimension_semantics = [], scalar_prefetch = 0 : i64, scratch_operands = 0 : i64, tpu.core_type = #tpu.core_type<tc>} {
    %get3A = arith.constant 0 : index
    %get3A_0 = arith.constant 0 : index
    %get3A_1 = vector.load %arg3[%get3A, %get3A_0] : memref<10240x2xf32, #tpu.memory_space<vmem>>, vector<10240x2xf32>
    %slice3A = vector.extract_strided_slice %get3A_1 {offsets = [0, 0], sizes = [10240, 1], strides = [1, 1]} : vector<10240x2xf32> to vector<10240x1xf32>
    %slice3A_2 = vector.extract_strided_slice %get3A_1 {offsets = [0, 1], sizes = [10240, 1], strides = [1, 1]} : vector<10240x2xf32> to vector<10240x1xf32>
    %add3A = arith.addf %slice3A, %slice3A_2 : vector<10240x1xf32>
    %add3A_3 = arith.constant 1.000000e+00 : f32
    %add3A_4 = vector.broadcast %add3A_3 : f32 to vector<10240x1xf32>
    %add3A_5 = arith.addf %add3A, %add3A_4 : vector<10240x1xf32>
    %rsqrt3A = math.rsqrt %add3A_5 : vector<10240x1xf32>
    %get3A_6 = arith.constant 0 : index
    %get3A_7 = arith.constant 0 : index
    %get3A_8 = vector.load %arg0[%get3A_6, %get3A_7] : memref<10240x128xf32, #tpu.memory_space<vmem>>, vector<10240x128xf32>
    %get3A_9 = arith.constant 0 : index
    %get3A_10 = arith.constant 0 : index
    %get3A_11 = vector.load %arg1[%get3A_9, %get3A_10] : memref<10240x128xf32, #tpu.memory_space<vmem>>, vector<10240x128xf32>
    %add3A_12 = arith.addf %get3A_8, %get3A_11 : vector<10240x128xf32>
    %get3A_13 = arith.constant 0 : index
    %get3A_14 = arith.constant 0 : index
    %get3A_15 = vector.load %arg2[%get3A_13, %get3A_14] : memref<10240x128xf32, #tpu.memory_space<vmem>>, vector<10240x128xf32>
    %add3A_16 = arith.addf %add3A_12, %get3A_15 : vector<10240x128xf32>
    %mul3A = vector.broadcast %rsqrt3A : vector<10240x1xf32> to vector<10240x128xf32>
    %mul3A_17 = arith.mulf %add3A_16, %mul3A : vector<10240x128xf32>
    %get3A_18 = arith.constant 0 : index
    %get3A_19 = arith.constant 0 : index
    %get3A_20 = vector.load %arg4[%get3A_18, %get3A_19] : memref<1x128xf32, #tpu.memory_space<vmem>>, vector<1x128xf32>
    %add3A_21 = vector.broadcast %get3A_20 : vector<1x128xf32> to vector<10240x128xf32>
    %add3A_22 = arith.addf %mul3A_17, %add3A_21 : vector<10240x128xf32>
    %slice3A_23 = vector.extract_strided_slice %add3A_22 {offsets = [0, 0], sizes = [10000, 128], strides = [1, 1]} : vector<10240x128xf32> to vector<10000x128xf32>
    %reduce_sum3A = arith.constant dense<0.000000e+00> : vector<128xf32>
    %reduce_sum3A_24 = vector.multi_reduction <add>, %slice3A_23, %reduce_sum3A [0] : vector<10000x128xf32> to vector<128xf32>
    %broadcast_in_dim3A = vector.shape_cast %reduce_sum3A_24 : vector<128xf32> to vector<1x128xf32>
    %div3A = arith.constant 1.000000e+04 : f32
    %div3A_25 = vector.broadcast %div3A : f32 to vector<1x128xf32>
    %div3A_26 = arith.divf %broadcast_in_dim3A, %div3A_25 : vector<1x128xf32>
    %sub3A = vector.broadcast %div3A_26 : vector<1x128xf32> to vector<10000x128xf32>
    %sub3A_27 = arith.subf %slice3A_23, %sub3A : vector<10000x128xf32>
    %integer_pow3A = arith.mulf %sub3A_27, %sub3A_27 : vector<10000x128xf32>
    %reduce_sum3A_28 = arith.constant dense<0.000000e+00> : vector<128xf32>
    %reduce_sum3A_29 = vector.multi_reduction <add>, %integer_pow3A, %reduce_sum3A_28 [0] : vector<10000x128xf32> to vector<128xf32>
    %broadcast_in_dim3A_30 = vector.shape_cast %reduce_sum3A_29 : vector<128xf32> to vector<1x128xf32>
    %div3A_31 = arith.constant 1.000000e+04 : f32
    %div3A_32 = vector.broadcast %div3A_31 : f32 to vector<1x128xf32>
    %div3A_33 = arith.divf %broadcast_in_dim3A_30, %div3A_32 : vector<1x128xf32>
    %sub3A_34 = vector.broadcast %div3A_26 : vector<1x128xf32> to vector<10000x128xf32>
    %sub3A_35 = arith.subf %slice3A_23, %sub3A_34 : vector<10000x128xf32>
    %add3A_36 = arith.constant 9.99999974E-6 : f32
    %add3A_37 = vector.broadcast %add3A_36 : f32 to vector<1x128xf32>
    %add3A_38 = arith.addf %div3A_33, %add3A_37 : vector<1x128xf32>
    %rsqrt3A_39 = math.rsqrt %add3A_38 : vector<1x128xf32>
    %mul3A_40 = vector.broadcast %rsqrt3A_39 : vector<1x128xf32> to vector<10000x128xf32>
    %mul3A_41 = arith.mulf %sub3A_35, %mul3A_40 : vector<10000x128xf32>
    %get3A_42 = arith.constant 0 : index
    %get3A_43 = arith.constant 0 : index
    %get3A_44 = vector.load %arg5[%get3A_42, %get3A_43] : memref<1x128xf32, #tpu.memory_space<vmem>>, vector<1x128xf32>
    %mul3A_45 = vector.broadcast %get3A_44 : vector<1x128xf32> to vector<10000x128xf32>
    %mul3A_46 = arith.mulf %mul3A_41, %mul3A_45 : vector<10000x128xf32>
    %get3A_47 = arith.constant 0 : index
    %get3A_48 = arith.constant 0 : index
    %get3A_49 = vector.load %arg6[%get3A_47, %get3A_48] : memref<1x128xf32, #tpu.memory_space<vmem>>, vector<1x128xf32>
    %add3A_50 = vector.broadcast %get3A_49 : vector<1x128xf32> to vector<10000x128xf32>
    %add3A_51 = arith.addf %mul3A_46, %add3A_50 : vector<10000x128xf32>
    %max3A = arith.constant 0.000000e+00 : f32
    %max3A_52 = vector.broadcast %max3A : f32 to vector<10000x128xf32>
    %max3A_53 = arith.maximumf %add3A_51, %max3A_52 : vector<10000x128xf32>
    %swap3A = arith.constant 0 : index
    %swap3A_54 = arith.constant 0 : index
    %swap3A_55 = vector.load %arg7[%swap3A, %swap3A_54] : memref<10000x128xf32, #tpu.memory_space<vmem>>, vector<10000x128xf32>
    tpu.vector_store %arg7[%swap3A, %swap3A_54], %max3A_53 {strides = array<i32>} : memref<10000x128xf32, #tpu.memory_space<vmem>>, vector<10000x128xf32>,
    return
  }
}

</mosaic_0001>

<sc_bundles>
// kernel: kernel.6.cloned.1.call-start
scs
__scs_entry_jumppad:
0x0: {  	(pc) =	sbr.rel $0x88, $3  }
0x1: {  	(tag) =	ssettag $0x0;
	lr =	simm.s32 $0x1  }
0x2: {  	[smem:$0x3F9B] =	sst lr;
	_ =	strace $0xD0000000  }
0x3: {  	_ = 	snop  }
0x4: {  	_ = 	snop  }
0x5: {  	_ = 	snop  }
0x6: {  	_ = 	snop  }
0x7: {  	_ = 	snop  }
__scs_overlays_trampoline_lowered:
0x8: {  	[smem:$0x3FAA] =	sst s0  }
0x9: {  	[smem:$0x3FAB] =	sst s1  }
0xa: {  	[smem:$0x3FAC] =	sst s2  }
0xb: {  	[smem:$0x3FAD] =	sst s3  }
0xc: {  	[smem:$0x3FAE] =	sst s4  }
0xd: {  	[smem:$0x3FAF] =	sst s5  }
0xe: {  	[smem:$0x3FB0] =	sst s6  }
0xf: {  	[smem:$0x3FB1] =	sst s7  }
0x10: {  	[smem:$0x3FB2] =	sst s8  }
0x11: {  	[smem:$0x3FB3] =	sst s9;
	s0 =	simm.s32 @!p0 $0x0  }
0x12: {  	s1 =	sld [smem:$0x3F99];
	s0 =	simm.s32 @p0 $0x1  }
0x13: {  	[smem:$0x3FB4] =	sst s0;
	s0 =	simm.s32 @!p1 $0x0  }
0x14: {  	s2 =	sld [smem:$0x3F98];
	s0 =	simm.s32 @p1 $0x1  }
0x15: {  	[smem:$0x3FB5] =	sst s0;
	s0 =	simm.s32 @!p2 $0x0  }
0x16: {  	s3 =	sld [smem:$0x3FDB];
	s0 =	simm.s32 @p2 $0x1  }
0x17: {  	s4 =	simm.s32 $0x1BF5;
	[smem:$0x3FB7] =	sst s0  }
0x18: {  	s0 =	sld [smem:$0x3F9A];
	_ =	swait.ge [sflag:s4], $0x0  }
0x19: {  	s7 =	sld [smem:$0x3F9B]  }
0x1a: {  	s8 =	sadd.s32 $0xFFFFE003, lr  }
0x1b: {  	s9 =	sadd.s32 $0xFFFFFEF7, lr;
	s5 =	simm.s32 $0xFFFFFFFF;
	p2 =	slt.u32 s8, $0xFFFFF086  }
0x1c: {  	p1 =	slt.u32 s9, $0xF7A;
	s5 =	simm.s32 @!p2 $0x0  }
0x1d: {  	s5 =	simm.s32 @p1 $0x1;
	p0 =	seq.s32 s7, s2  }
0x1e: {  	s7 =	smul.u32 @!p0 $0xF7A, s2;
	p2 =	seq.s32 @!p0 s5, $0x0  }
0x1f: {  	s9 =	smul.u32 $0xF7A, s1;
	s8 =	simm.s32 @!p0 $0x1BF5;
	p2 =	por !p2, p0  }
0x20: {  	[sflag:s8] =	ssyncset.s32 @!p0 $0xFFFFF086;
	s6 =	sadd.s32 @!p0 s3, s7;
	s7 =	simm.s32 @!p0 $0x108  }
0x21: {  	s3 =	sadd.s32 s3, s9;
	s6 =	sadd.s32 @!p0 $0x88, s6;
	s7 =	simm.s32 @p2 $0x1082  }
0x22: {  	[simem:s7], [sflag:s8] =	dma.local @!p0 [hbm:s6], $0xF7A  }
0x23: {  	s9 =	sor.u32 $0xD0000000, s2;
	s6 =	simm.s32 $0x108;
	_ =	swait.ge @!p0 [sflag:s8], $0x0  }
0x24: {  	s3 =	sadd.s32 $0x88, s3;
	s6 =	simm.s32 @!p1 $0x1082;
	[sflag:s4] =	ssyncset.s32 $0xFFFFF086  }
0x25: {  	[simem:s6], [sflag:s4] =	dma.local [hbm:s3], $0xF7A  }
0x26: {  	[smem:$0x3F9B] =	sst s1;
	(tag) =	ssettag s2;
	_ =	strace s9  }
0x27: {  	s1 =	sld [smem:$0x3FAB]  }
0x28: {  	s2 =	sld [smem:$0x3FAC]  }
0x29: {  	s4 =	sld [smem:$0x3FAE]  }
0x2a: {  	p0 =	seq.s32 s5, $0x0;
	s5 =	sld [smem:$0x3FAF]  }
0x2b: {  	s6 =	sld [smem:$0x3FB0]  }
0x2c: {  	s7 =	sld [smem:$0x3FB1]  }
0x2d: {  	s3 =	simm.s32 $0x108;
	s8 =	sld [smem:$0x3FB2]  }
0x2e: {  	s3 =	simm.s32 @!p0 $0x1082;
	s9 =	sld [smem:$0x3FB3]  }
0x2f: {  	lr =	sadd.s32 s0, s3;
	s0 =	sld [smem:$0x3FAA]  }
0x30: {  	s3 =	sld [smem:$0x3FAD]  }
0x31: {  	[smem:$0x3FB6] =	sst s10  }
0x32: {  	s10 =	sld [smem:$0x3FB4];
	_ =	sdelay $0x3  }
0x33: {  	p0 =	seq.s32 s10, $0x1;
	s10 =	sld [smem:$0x3FB6];
	_ =	sdelay $0x3  }
0x34: {  	[smem:$0x3FB6] =	sst s10  }
0x35: {  	s10 =	sld [smem:$0x3FB5];
	_ =	sdelay $0x3  }
0x36: {  	p1 =	seq.s32 s10, $0x1;
	s10 =	sld [smem:$0x3FB6];
	_ =	sdelay $0x3  }
0x37: {  	[smem:$0x3FB6] =	sst s10  }
0x38: {  	s10 =	sld [smem:$0x3FB7]  }
0x39: {  	_ = 	snop;
	(pc) =	sbr.ind lr, $3  }
0x3a: {  	_ = 	snop  }
0x3b: {  	_ = 	snop  }
0x3c: {  	p2 =	seq.s32 s10, $0x1;
	s10 =	sld [smem:$0x3FB6]  }
0x3d: {  	_ =	shalt  }
0x3e: {  	_ =	shalt  }
0x3f: {  	_ =	shalt  }
0x40: {  	_ =	shalt  }
0x41: {  	_ =	shalt  }
0x42: {  	_ =	shalt  }
0x43: {  	_ =	shalt  }
0x44: {  	_ =	shalt  }
0x45: {  	_ =	shalt  }
0x46: {  	_ =	shalt  }
0x47: {  	_ =	shalt  }
0x48: {  	_ =	shalt  }
0x49: {  	_ =	shalt  }
0x4a: {  	_ =	shalt  }
0x4b: {  	_ =	shalt  }
0x4c: {  	_ =	shalt  }
0x4d: {  	_ =	shalt  }
0x4e: {  	_ =	shalt  }
0x4f: {  	_ =	shalt  }
0x50: {  	_ =	shalt  }
0x51: {  	_ =	shalt  }
0x52: {  	_ =	shalt  }
0x53: {  	_ =	shalt  }
0x54: {  	_ =	shalt  }
0x55: {  	_ =	shalt  }
0x56: {  	_ =	shalt  }
0x57: {  	_ =	shalt  }
0x58: {  	_ =	shalt  }
0x59: {  	_ =	shalt  }
0x5a: {  	_ =	shalt  }
0x5b: {  	_ =	shalt  }
0x5c: {  	_ =	shalt  }
0x5d: {  	_ =	shalt  }
0x5e: {  	_ =	shalt  }
0x5f: {  	_ =	shalt  }
0x60: {  	_ =	shalt  }
0x61: {  	_ =	shalt  }
0x62: {  	_ =	shalt  }
0x63: {  	_ =	shalt  }
0x64: {  	_ =	shalt  }
0x65: {  	_ =	shalt  }
0x66: {  	_ =	shalt  }
0x67: {  	_ =	shalt  }
0x68: {  	_ =	shalt  }
0x69: {  	_ =	shalt  }
0x6a: {  	_ =	shalt  }
0x6b: {  	_ =	shalt  }
0x6c: {  	_ =	shalt  }
0x6d: {  	_ =	shalt  }
0x6e: {  	_ =	shalt  }
0x6f: {  	_ =	shalt  }
0x70: {  	_ =	shalt  }
0x71: {  	_ =	shalt  }
0x72: {  	_ =	shalt  }
0x73: {  	_ =	shalt  }
0x74: {  	_ =	shalt  }
0x75: {  	_ =	shalt  }
0x76: {  	_ =	shalt  }
0x77: {  	_ =	shalt  }
0x78: {  	_ =	shalt  }
0x79: {  	_ =	shalt  }
0x7a: {  	_ =	shalt  }
0x7b: {  	_ =	shalt  }
0x7c: {  	_ =	shalt  }
0x7d: {  	_ =	shalt  }
0x7e: {  	_ =	shalt  }
0x7f: {  	_ =	shalt  }
0x80: {  	_ =	shalt  }
0x81: {  	_ =	shalt  }
0x82: {  	_ =	shalt  }
0x83: {  	_ =	shalt  }
0x84: {  	_ =	shalt  }
0x85: {  	_ =	shalt  }
0x86: {  	_ =	shalt  }
0x87: {  	_ =	shalt  }
.Lfunc_end0:
.L_simem_size_0:
called_computation_lowered:
.L_overlay_start_0:
0x88: {  	s2 =	sld [smem:$0x3FD9]  }
0x89: {  	s3 =	sld [smem:$0x3FFE];
	_ =	sdelay $0x1  }
0x8a: {  	s1 =	srdreg.scid  }
0x8b: {  	s0 =	sand.u32 $0x1, s1  }
0x8c: {  	s17 =	sshll.u32 s0, $0xA;
	s2 =	sadd.s32 s3, s2  }
0x8d: {  	s2 =	sadd.s32 s2, s17  }
0x8e: {  	[smem:$0x3FC2] =	sst s2  }
0x8f: {  	_ = 	snop  }
0x90: {  	s2 =	sld [smem:$0x3FD0];
	(tm) =	ssettm $0x1  }
0x91: {  	s18 =	sld [smem:$0x3FFB];
	_ =	sdelay $0x3  }
0x92: {  	_ =	strace s18  }
0x93: {  	s3 =	sld [smem:$0x3FFC];
	_ =	sdelay $0x3  }
0x94: {  	_ =	strace s3  }
0x95: {  	s3 =	sld [smem:$0x3FFD];
	_ =	sdelay $0x3  }
0x96: {  	_ =	strace s3  }
0x97: {  	_ =	strace $0x8FFFFFFF  }
0x98: {  	s19 =	sld [smem:$0x3FDB];
	_ =	sdelay $0x1  }
0x99: {  	s4 =	simm.s32 $_scs_section_size  }
0x9a: {  	s5 =	simm.s32 $_size__tile_overlayer_lowered;
	s6 =	simm.s32 $_tile_overlayer_lowered  }
0x9b: {  	s22 =	simm.s32 $0x1BFF;
	s21 =	sshll.u32 s6, $0x1;
	s3 =	sadd.s32 s4, s19  }
0x9c: {  	s7 =	simm.s32 $0x0;
	s20 =	sshll.u32 s5, $0x1;
	s5 =	sadd.s32 s21, s3  }
0x9d: {  	[timem:s7], [sflag:s22] =	dma.local [hbm:s5], s20  }
0x9e: {  	_ =	swait.ge [sflag:s22], s20  }
0x9f: {  	s4 =	ssub.s32 $0x0, s20;
	[sflag:s22] =	ssyncset.done $0x0  }
0xa0: {  	[sflag:s22] =	ssyncadd.s32 s4;
	_ =	sdelay $0x1  }
0xa1: {  	s23 =	simm.s32 $0x1B8B  }
0xa2: {  	_ =	swait.ge [sflag:s23], $0x1  }
0xa3: {  	[sflag:s23] =	ssyncset.done $0x0  }
0xa4: {  	s25 =	simm.s32 $0x1B8E;
	s24 =	sld [smem:$0x3FFE];
	[sflag:s23] =	ssyncadd.s32 $0xFFFFFFFF  }
0xa5: {  	s26 =	simm.s32 $execute0_lowered;
	[smem:$0x3FD2] =	sst s25  }
0xa6: {  	s5 =	sshll.u32 s26, $0x1;
	_ =	strace $0x80000046;
	[dreg:$0x1] =	wrdreg $0xFFFFFFFF  }
0xa7: {  	s28 =	simm.s32 $_size_execute0_lowered;
	s3 =	sadd.s32 s3, s5;
	[dreg:$0x0] =	wrdreg $0x0  }
0xa8: {  	s5 =	sshll.u32 s28, $0x1;
	[dreg:$0x2] =	wrdreg s3  }
0xa9: {  	[dreg:$0x3] =	wrdreg s5  }
0xaa: {  	[dreg:$0x4] =	wrdreg $0xC0  }
0xab: {  	_ =	task [dreg:s7], $0x5FFFF  }
0xac: {  	[dreg:$0x1] =	wrdreg $0xFFFFFFFF  }
0xad: {  	[dreg:$0x0] =	wrdreg $0x60  }
0xae: {  	[dreg:$0x2] =	wrdreg s2  }
0xaf: {  	[dreg:$0x3] =	wrdreg s24  }
0xb0: {  	[dreg:$0x4] =	wrdreg $0x50800  }
0xb1: {  	[dreg:$0x5] =	wrdreg $0x9  }
0xb2: {  	_ =	task.clear_ibuf [dreg:s7], $0x6FFFF;
	_ =	strace $0x90000046  }
0xb3: {  	s29 =	simm.s32 $0x9;
	_ =	strace $0x80000048  }
0xb4: {  	_ =	swait.ge [sflag:s29], $0x1  }
0xb5: {  	[sflag:s29] =	ssyncadd.s32 $0xFFFFFFFF  }
0xb6: {  	_ =	strace $0x90000048  }
0xb7: {  	_ =	sfence  }
0xb8: {  	s30 =	sld [smem:$0x0];
	_ =	sdelay $0x2  }
0xb9: {  	s31 =	sshll.u32 s1, $0xD;
	s1 =	sshrl.u32 s1, $0x2  }
0xba: {  	s3 =	sand.u32 $0x4000, s31;
	s1 =	sadd.s32 s1, s30  }
0xbb: {  	s0 =	sor.u32 s3, s0;
	s1 =	sshll.u32 s1, $0x11  }
0xbc: {  	s0 =	sor.u32 s1, s0  }
0xbd: {  	s0 =	sadd.s32 $0x8F2B, s0  }
0xbe: {  	[sflag:s0] =	ssyncadd.remote.s32 $0x1  }
0xbf: {  	_ =	sfence.sel $0xFFFF  }
0xc0: {  	[dreg:$0x0] =	wrdreg $0xFFFFFFFF;
	(pc) =	sbr.abs _section_cstart, $3  }
0xc1: {  	[dreg:$0x1] =	wrdreg $0xFFFFFFFF  }
0xc2: {  	_ =	task.clear_ibuf [dreg:s7], $0x2FFFF;
	_ =	strace $0x9FFFFFFF  }
0xc3: {  	(tm) =	ssettm $0x7FFFFFFF  }
tec
execute0_lowered:
.L_overlay_start_1:
0x0: {  	(tag) =	ssettag $0x1  }
0x1: {  	s7 =	rddreg [dreg:$0x0]  }
0x2: {  	s6 =	rddreg [dreg:$0x1]  }
0x3: {  	s2 =	rddreg [dreg:$0x2]  }
0x4: {  	s0 =	rddreg [dreg:$0x3];
	s3 =	simm.s32 $0x0;
	s4 =	srdreg.scid  }
0x5: {  	s1 =	stileid.u32;
	s12 =	simm.s32 $0x5000;
	s13 =	simm.s32 $0x80  }
0x6: {  	s14 =	simm.s32 $0x1;
	s15 =	simm.s32 $0x20;
	s16 =	simm.s32 $0x10  }
0x7: {  	s17 =	simm.s32 $0x0;
	[smem:$0x7FF] =	sst s3;
	s8 =	sand.u32 $0x1, s4  }
0x8: {  	s9 =	smul.u32 $0x500, s1;
	s4 =	sadd.s32 $0x1C00, s6;
	s5 =	sadd.s32 $0x1E00, s6  }
0x9: {  	s26 =	smul.u32 $0xA00, s1;
	s31 =	sshll.u32 s1, $0x6;
	_ =	strace $0x80000047  }
0xa: {  	s10 =	sshll.u32 s8, $0x7;
	s11 =	sshll.u32 s8, $0x4;
	s28 =	ssub.s32 $0x2, s8  }
0xb: {  	s9 =	sor.u32 s10, s9;
	s29 =	sor.u32 s1, s11;
	s30 =	sshrl.u32 s28, $0x1  }
0xc: {  	s10 =	sshrl.u32 s26, $0x2;
	s9 =	sshrl.u32 s9, $0x3;
	s8 =	smul.u32 $0xA00, s29  }
0xd: {  	s11 =	ssub.s32 s28, s30;
	s10 =	sadd.s32 s10, s2;
	s9 =	sadd.s32 s9, s6  }
0xe: {  	s6 =	sor.u32 $0x1C02, s31;
	s10 =	sshrl.u32 s10, $0x3;
	s7 =	sadd.s32 s7, s8  }
0xf: {  	s8 =	sadd.s32 $0x2000, s9;
	s9 =	smax.u32 s11, $0x1;
	s11 =	simm.s32 $0x2  }
.LBB2_1:
0x10: {  	[spmem:s10], [sflag:s6] =	dma.local [hbm:s5], $0x50  }
0x11: {  	_ =	swait.ge [sflag:s11], $0x50  }
0x12: {  	[sflag:s11] =	ssyncset.done $0x0  }
0x13: {  	[sflag:s11] =	ssyncadd.s32 $0xFFFFFFB0  }
0x14: {  	[tilespmem:s3], [sflag:$0x2] =	stream.linear.gather [hbm4b:s7+s3], $0x5000, $0x38;
	[tilespmem:$0x5300] =	vst v63  }
0x15: {  	_ =	swait.ge [sflag:s11], $0x5000  }
0x16: {  	[sflag:s11] =	ssyncset.done $0x0  }
0x17: {  	[sflag:s11] =	ssyncadd.s32 $0xFFFFB000  }
0x18: {  	[tilespmem:s12], [sflag:$0x2] =	stream.linear.gather [hbm4b:s4+s3], $0x80, $0x38;
	[tilespmem:$0x5300] =	vst v63  }
0x19: {  	_ =	swait.ge [sflag:s11], $0x80  }
0x1a: {  	[sflag:s11] =	ssyncset.done $0x0  }
0x1b: {  	[sflag:s11] =	ssyncadd.s32 $0xFFFFFF80  }
0x1c: {  	s18 =	simm.s32 $0x200;
	[bflag:$0x0] =	sbarrier.arrive $0xFFFF  }
.LBB2_2:
0x1d: {  	p0 =	sne.s32 s18, $0x13E00  }
.Ltmp0:
0x1e: {  	_ = 	snop;
	(pc) =	sbr.rel @p0 .LBB2_2-.Ltmp0, $3  }
0x1f: {  	_ =	sdelay $0x1  }
0x20: {  	s19 =	sshra.s32 s18, $0x2;
	s18 =	sadd.s32 $0x400, s18  }
0x21: {  	[spmem:s2] =	stream.indirect.scatter.add.f32 [tilespmem:s12], [sflag:$0x1], $0x1, s19, s13, $0xb8;
	[tilespmem:$0x5300] =	vst v63  }
0x22: {  	_ =	swait.ge [sflag:s14], $0x80  }
0x23: {  	s18 =	simm.s32 $0x4F;
	[sflag:s14] =	ssyncset.done $0x0  }
.LBB2_4:
0x24: {  	p0 =	sne.s32 s18, $0x1;
	s18 =	sadd.s32 $0xFFFFFFFF, s18;
	[sflag:s14] =	ssyncadd.s32 $0xFFFFFF80  }
.Ltmp1:
0x25: {  	(pc) =	sbr.rel @p0 .LBB2_4-.Ltmp1, $3  }
0x26: {  	_ =	sdelay $0x1  }
0x27: {  	_ =	swait.ge [sflag:s14], $0x80  }
0x28: {  	[sflag:s14] =	ssyncset.done $0x0  }
0x29: {  	s17 =	sadd.s32 $0x1, s17  }
0x2a: {  	[sflag:s14] =	ssyncadd.s32 $0xFFFFFF80;
	p0 =	sne.s32 s17, s9  }
.Ltmp2:
0x2b: {  	[bflag:$0x0] =	sbarrier.arrive $0xFFFF;
	(pc) =	sbr.rel @p0 .LBB2_1-.Ltmp2, $4  }
0x2c: {  	[hbm:s8@s15], [sflag:s6] =	dma.strided [spmem:s10@s16], $0x50, s14, $0x10   }
0x2d: {  	_ =	swait.ge [sflag:s11], $0x50  }
0x2e: {  	[sflag:s11] =	ssyncset.done $0x0  }
0x2f: {  	[sflag:s11] =	ssyncadd.s32 $0xFFFFFFB0  }
0x30: {  	_ =	sfence.sel $0x180000  }
0x31: {  	[bflag:$0x0] =	sbarrier.arrive $0xFFFF  }
0x32: {  	p0 =	sne.s32 s1, $0x0;
	_ =	strace $0x90000047  }
0x33: {  	s0 =	sadd.s32 @!p0 $0x100000, s0;
	[bflag:$0x2] =	sbarrier.arrive $0xFFFF  }
0x34: {  	[sflag:s0] =	ssyncadd.tile.s32 @!p0 $0x1;
	_ =	shalt  }
.Lfunc_end2:
_tile_overlayer_lowered:
.L_overlay_start_2:
0x35: {  	(tag) =	ssettag $0x2  }
0x36: {  	s0 =	rddreg [dreg:$0x0];
	s2 =	stileid.u32  }
0x37: {  	s1 =	rddreg [dreg:$0x1];
	p0 =	sne.s32 s2, $0x0  }
0x38: {  	s3 =	rddreg [dreg:$0x2];
	[bflag:$0x3] =	sbarrier.arrive $0xFFFF;
	s2 =	simm.s32 @!p0 $0x1C02  }
0x39: {  	[timem:s3], [sflag:s2] =	dma.local @!p0 [hbm:s0], s1  }
0x3a: {  	s0 =	simm.s32 @!p0 $0x2  }
0x3b: {  	_ =	swait.ge @!p0 [sflag:s0], s1  }
0x3c: {  	s1 =	ssub.s32 @!p0 $0x0, s1;
	[sflag:s0] =	ssyncset.done @!p0 $0x0  }
0x3d: {  	[sflag:s0] =	ssyncadd.s32 @!p0 s1  }
0x3e: {  	[bflag:$0x3] =	sbarrier.arrive $0xFFFF  }
0x3f: {  	_ =	shalt  }

// kernel: kernel.9.cloned.1.call-start
scs
__scs_entry_jumppad:
0x0: {  	(pc) =	sbr.rel $0x88, $3  }
0x1: {  	(tag) =	ssettag $0x0;
	lr =	simm.s32 $0x1  }
0x2: {  	[smem:$0x3F9B] =	sst lr;
	_ =	strace $0xD0000000  }
0x3: {  	_ = 	snop  }
0x4: {  	_ = 	snop  }
0x5: {  	_ = 	snop  }
0x6: {  	_ = 	snop  }
0x7: {  	_ = 	snop  }
__scs_overlays_trampoline_lowered:
0x8: {  	[smem:$0x3FAA] =	sst s0  }
0x9: {  	[smem:$0x3FAB] =	sst s1  }
0xa: {  	[smem:$0x3FAC] =	sst s2  }
0xb: {  	[smem:$0x3FAD] =	sst s3  }
0xc: {  	[smem:$0x3FAE] =	sst s4  }
0xd: {  	[smem:$0x3FAF] =	sst s5  }
0xe: {  	[smem:$0x3FB0] =	sst s6  }
0xf: {  	[smem:$0x3FB1] =	sst s7  }
0x10: {  	[smem:$0x3FB2] =	sst s8  }
0x11: {  	[smem:$0x3FB3] =	sst s9;
	s0 =	simm.s32 @!p0 $0x0  }
0x12: {  	s1 =	sld [smem:$0x3F99];
	s0 =	simm.s32 @p0 $0x1  }
0x13: {  	[smem:$0x3FB4] =	sst s0;
	s0 =	simm.s32 @!p1 $0x0  }
0x14: {  	s2 =	sld [smem:$0x3F98];
	s0 =	simm.s32 @p1 $0x1  }
0x15: {  	[smem:$0x3FB5] =	sst s0;
	s0 =	simm.s32 @!p2 $0x0  }
0x16: {  	s3 =	sld [smem:$0x3FDB];
	s0 =	simm.s32 @p2 $0x1  }
0x17: {  	s4 =	simm.s32 $0x1BF5;
	[smem:$0x3FB7] =	sst s0  }
0x18: {  	s0 =	sld [smem:$0x3F9A];
	_ =	swait.ge [sflag:s4], $0x0  }
0x19: {  	s7 =	sld [smem:$0x3F9B]  }
0x1a: {  	s8 =	sadd.s32 $0xFFFFE003, lr  }
0x1b: {  	s9 =	sadd.s32 $0xFFFFFEF7, lr;
	s5 =	simm.s32 $0xFFFFFFFF;
	p2 =	slt.u32 s8, $0xFFFFF086  }
0x1c: {  	p1 =	slt.u32 s9, $0xF7A;
	s5 =	simm.s32 @!p2 $0x0  }
0x1d: {  	s5 =	simm.s32 @p1 $0x1;
	p0 =	seq.s32 s7, s2  }
0x1e: {  	s7 =	smul.u32 @!p0 $0xF7A, s2;
	p2 =	seq.s32 @!p0 s5, $0x0  }
0x1f: {  	s9 =	smul.u32 $0xF7A, s1;
	s8 =	simm.s32 @!p0 $0x1BF5;
	p2 =	por !p2, p0  }
0x20: {  	[sflag:s8] =	ssyncset.s32 @!p0 $0xFFFFF086;
	s6 =	sadd.s32 @!p0 s3, s7;
	s7 =	simm.s32 @!p0 $0x108  }
0x21: {  	s3 =	sadd.s32 s3, s9;
	s6 =	sadd.s32 @!p0 $0x88, s6;
	s7 =	simm.s32 @p2 $0x1082  }
0x22: {  	[simem:s7], [sflag:s8] =	dma.local @!p0 [hbm:s6], $0xF7A  }
0x23: {  	s9 =	sor.u32 $0xD0000000, s2;
	s6 =	simm.s32 $0x108;
	_ =	swait.ge @!p0 [sflag:s8], $0x0  }
0x24: {  	s3 =	sadd.s32 $0x88, s3;
	s6 =	simm.s32 @!p1 $0x1082;
	[sflag:s4] =	ssyncset.s32 $0xFFFFF086  }
0x25: {  	[simem:s6], [sflag:s4] =	dma.local [hbm:s3], $0xF7A  }
0x26: {  	[smem:$0x3F9B] =	sst s1;
	(tag) =	ssettag s2;
	_ =	strace s9  }
0x27: {  	s1 =	sld [smem:$0x3FAB]  }
0x28: {  	s2 =	sld [smem:$0x3FAC]  }
0x29: {  	s4 =	sld [smem:$0x3FAE]  }
0x2a: {  	p0 =	seq.s32 s5, $0x0;
	s5 =	sld [smem:$0x3FAF]  }
0x2b: {  	s6 =	sld [smem:$0x3FB0]  }
0x2c: {  	s7 =	sld [smem:$0x3FB1]  }
0x2d: {  	s3 =	simm.s32 $0x108;
	s8 =	sld [smem:$0x3FB2]  }
0x2e: {  	s3 =	simm.s32 @!p0 $0x1082;
	s9 =	sld [smem:$0x3FB3]  }
0x2f: {  	lr =	sadd.s32 s0, s3;
	s0 =	sld [smem:$0x3FAA]  }
0x30: {  	s3 =	sld [smem:$0x3FAD]  }
0x31: {  	[smem:$0x3FB6] =	sst s10  }
0x32: {  	s10 =	sld [smem:$0x3FB4];
	_ =	sdelay $0x3  }
0x33: {  	p0 =	seq.s32 s10, $0x1;
	s10 =	sld [smem:$0x3FB6];
	_ =	sdelay $0x3  }
0x34: {  	[smem:$0x3FB6] =	sst s10  }
0x35: {  	s10 =	sld [smem:$0x3FB5];
	_ =	sdelay $0x3  }
0x36: {  	p1 =	seq.s32 s10, $0x1;
	s10 =	sld [smem:$0x3FB6];
	_ =	sdelay $0x3  }
0x37: {  	[smem:$0x3FB6] =	sst s10  }
0x38: {  	s10 =	sld [smem:$0x3FB7]  }
0x39: {  	_ = 	snop;
	(pc) =	sbr.ind lr, $3  }
0x3a: {  	_ = 	snop  }
0x3b: {  	_ = 	snop  }
0x3c: {  	p2 =	seq.s32 s10, $0x1;
	s10 =	sld [smem:$0x3FB6]  }
0x3d: {  	_ =	shalt  }
0x3e: {  	_ =	shalt  }
0x3f: {  	_ =	shalt  }
0x40: {  	_ =	shalt  }
0x41: {  	_ =	shalt  }
0x42: {  	_ =	shalt  }
0x43: {  	_ =	shalt  }
0x44: {  	_ =	shalt  }
0x45: {  	_ =	shalt  }
0x46: {  	_ =	shalt  }
0x47: {  	_ =	shalt  }
0x48: {  	_ =	shalt  }
0x49: {  	_ =	shalt  }
0x4a: {  	_ =	shalt  }
0x4b: {  	_ =	shalt  }
0x4c: {  	_ =	shalt  }
0x4d: {  	_ =	shalt  }
0x4e: {  	_ =	shalt  }
0x4f: {  	_ =	shalt  }
0x50: {  	_ =	shalt  }
0x51: {  	_ =	shalt  }
0x52: {  	_ =	shalt  }
0x53: {  	_ =	shalt  }
0x54: {  	_ =	shalt  }
0x55: {  	_ =	shalt  }
0x56: {  	_ =	shalt  }
0x57: {  	_ =	shalt  }
0x58: {  	_ =	shalt  }
0x59: {  	_ =	shalt  }
0x5a: {  	_ =	shalt  }
0x5b: {  	_ =	shalt  }
0x5c: {  	_ =	shalt  }
0x5d: {  	_ =	shalt  }
0x5e: {  	_ =	shalt  }
0x5f: {  	_ =	shalt  }
0x60: {  	_ =	shalt  }
0x61: {  	_ =	shalt  }
0x62: {  	_ =	shalt  }
0x63: {  	_ =	shalt  }
0x64: {  	_ =	shalt  }
0x65: {  	_ =	shalt  }
0x66: {  	_ =	shalt  }
0x67: {  	_ =	shalt  }
0x68: {  	_ =	shalt  }
0x69: {  	_ =	shalt  }
0x6a: {  	_ =	shalt  }
0x6b: {  	_ =	shalt  }
0x6c: {  	_ =	shalt  }
0x6d: {  	_ =	shalt  }
0x6e: {  	_ =	shalt  }
0x6f: {  	_ =	shalt  }
0x70: {  	_ =	shalt  }
0x71: {  	_ =	shalt  }
0x72: {  	_ =	shalt  }
0x73: {  	_ =	shalt  }
0x74: {  	_ =	shalt  }
0x75: {  	_ =	shalt  }
0x76: {  	_ =	shalt  }
0x77: {  	_ =	shalt  }
0x78: {  	_ =	shalt  }
0x79: {  	_ =	shalt  }
0x7a: {  	_ =	shalt  }
0x7b: {  	_ =	shalt  }
0x7c: {  	_ =	shalt  }
0x7d: {  	_ =	shalt  }
0x7e: {  	_ =	shalt  }
0x7f: {  	_ =	shalt  }
0x80: {  	_ =	shalt  }
0x81: {  	_ =	shalt  }
0x82: {  	_ =	shalt  }
0x83: {  	_ =	shalt  }
0x84: {  	_ =	shalt  }
0x85: {  	_ =	shalt  }
0x86: {  	_ =	shalt  }
0x87: {  	_ =	shalt  }
.Lfunc_end0:
.L_simem_size_0:
called_computation.1_lowered:
.L_overlay_start_0:
0x88: {  	s2 =	sld [smem:$0x3FD9]  }
0x89: {  	s3 =	sld [smem:$0x3FFE];
	_ =	sdelay $0x1  }
0x8a: {  	s1 =	srdreg.scid  }
0x8b: {  	s0 =	sand.u32 $0x1, s1  }
0x8c: {  	s17 =	sshll.u32 s0, $0xA;
	s2 =	sadd.s32 s3, s2  }
0x8d: {  	s2 =	sadd.s32 s2, s17  }
0x8e: {  	[smem:$0x3FC2] =	sst s2  }
0x8f: {  	_ = 	snop  }
0x90: {  	s2 =	sld [smem:$0x3FD0];
	(tm) =	ssettm $0x1  }
0x91: {  	s18 =	sld [smem:$0x3FFB];
	_ =	sdelay $0x3  }
0x92: {  	_ =	strace s18  }
0x93: {  	s3 =	sld [smem:$0x3FFC];
	_ =	sdelay $0x3  }
0x94: {  	_ =	strace s3  }
0x95: {  	s3 =	sld [smem:$0x3FFD];
	_ =	sdelay $0x3  }
0x96: {  	_ =	strace s3  }
0x97: {  	_ =	strace $0x8FFFFFFF  }
0x98: {  	s19 =	sld [smem:$0x3FDB];
	_ =	sdelay $0x1  }
0x99: {  	s4 =	simm.s32 $_scs_section_size  }
0x9a: {  	s5 =	simm.s32 $_size__tile_overlayer_lowered;
	s6 =	simm.s32 $_tile_overlayer_lowered  }
0x9b: {  	s22 =	simm.s32 $0x1BFF;
	s21 =	sshll.u32 s6, $0x1;
	s3 =	sadd.s32 s4, s19  }
0x9c: {  	s7 =	simm.s32 $0x0;
	s20 =	sshll.u32 s5, $0x1;
	s5 =	sadd.s32 s21, s3  }
0x9d: {  	[timem:s7], [sflag:s22] =	dma.local [hbm:s5], s20  }
0x9e: {  	_ =	swait.ge [sflag:s22], s20  }
0x9f: {  	s4 =	ssub.s32 $0x0, s20;
	[sflag:s22] =	ssyncset.done $0x0  }
0xa0: {  	[sflag:s22] =	ssyncadd.s32 s4;
	_ =	sdelay $0x1  }
0xa1: {  	s23 =	simm.s32 $0x1B8B  }
0xa2: {  	_ =	swait.ge [sflag:s23], $0x1  }
0xa3: {  	[sflag:s23] =	ssyncset.done $0x0  }
0xa4: {  	s25 =	simm.s32 $0x1B8E;
	s24 =	sld [smem:$0x3FFE];
	[sflag:s23] =	ssyncadd.s32 $0xFFFFFFFF  }
0xa5: {  	s26 =	simm.s32 $execute0_lowered;
	[smem:$0x3FD2] =	sst s25  }
0xa6: {  	s5 =	sshll.u32 s26, $0x1;
	_ =	strace $0x80000049;
	[dreg:$0x1] =	wrdreg $0xFFFFFFFF  }
0xa7: {  	s28 =	simm.s32 $_size_execute0_lowered;
	s3 =	sadd.s32 s3, s5;
	[dreg:$0x0] =	wrdreg $0x0  }
0xa8: {  	s5 =	sshll.u32 s28, $0x1;
	[dreg:$0x2] =	wrdreg s3  }
0xa9: {  	[dreg:$0x3] =	wrdreg s5  }
0xaa: {  	[dreg:$0x4] =	wrdreg $0xC0  }
0xab: {  	_ =	task [dreg:s7], $0x5FFFF  }
0xac: {  	[dreg:$0x1] =	wrdreg $0xFFFFFFFF  }
0xad: {  	[dreg:$0x0] =	wrdreg $0x60  }
0xae: {  	[dreg:$0x2] =	wrdreg s24  }
0xaf: {  	[dreg:$0x3] =	wrdreg s2  }
0xb0: {  	[dreg:$0x4] =	wrdreg $0xA8000  }
0xb1: {  	[dreg:$0x5] =	wrdreg $0x9  }
0xb2: {  	_ =	task.clear_ibuf [dreg:s7], $0x6FFFF;
	_ =	strace $0x90000049  }
0xb3: {  	s29 =	simm.s32 $0x9;
	_ =	strace $0x8000004B  }
0xb4: {  	_ =	swait.ge [sflag:s29], $0x1  }
0xb5: {  	[sflag:s29] =	ssyncadd.s32 $0xFFFFFFFF  }
0xb6: {  	_ =	strace $0x9000004B  }
0xb7: {  	_ =	sfence  }
0xb8: {  	s30 =	sld [smem:$0x0];
	_ =	sdelay $0x2  }
0xb9: {  	s31 =	sshll.u32 s1, $0xD;
	s1 =	sshrl.u32 s1, $0x2  }
0xba: {  	s3 =	sand.u32 $0x4000, s31;
	s1 =	sadd.s32 s1, s30  }
0xbb: {  	s0 =	sor.u32 s3, s0;
	s1 =	sshll.u32 s1, $0x11  }
0xbc: {  	s0 =	sor.u32 s1, s0  }
0xbd: {  	s0 =	sadd.s32 $0x8F2B, s0  }
0xbe: {  	[sflag:s0] =	ssyncadd.remote.s32 $0x1  }
0xbf: {  	_ =	sfence.sel $0xFFFF  }
0xc0: {  	[dreg:$0x0] =	wrdreg $0xFFFFFFFF;
	(pc) =	sbr.abs _section_cstart, $3  }
0xc1: {  	[dreg:$0x1] =	wrdreg $0xFFFFFFFF  }
0xc2: {  	_ =	task.clear_ibuf [dreg:s7], $0x2FFFF;
	_ =	strace $0x9FFFFFFF  }
0xc3: {  	(tm) =	ssettm $0x7FFFFFFF  }
tec
execute0_lowered:
.L_overlay_start_1:
0x0: {  	(tag) =	ssettag $0x1  }
0x1: {  	s6 =	rddreg [dreg:$0x0]  }
0x2: {  	s7 =	rddreg [dreg:$0x1]  }
0x3: {  	s1 =	rddreg [dreg:$0x2]  }
0x4: {  	s0 =	rddreg [dreg:$0x3]  }
0x5: {  	s3 =	simm.s32 $0x0;
	s2 =	srdreg.scid;
	s13 =	simm.s32 $0x80  }
0x6: {  	s14 =	simm.s32 $0x2800;
	s15 =	simm.s32 $0x100;
	s16 =	simm.s32 $0x6800  }
0x7: {  	s17 =	simm.s32 $0x1;
	s18 =	simm.s32 $0x2;
	s19 =	simm.s32 $0x3  }
0x8: {  	s20 =	simm.s32 $0x4;
	s21 =	simm.s32 $0x2680;
	s22 =	simm.s32 $0x2780  }
0x9: {  	s23 =	simm.s32 $0x0;
	[smem:$0x7FF] =	sst s3;
	s8 =	sand.u32 $0x1, s2  }
0xa: {  	s2 =	stileid.u32;
	s4 =	sadd.s32 $0x1C00, s6;
	s9 =	smul.u32 $0x140000, s8  }
0xb: {  	s5 =	sadd.s32 $0x29C00, s6;
	_ =	strace $0x8000004A;
	s10 =	smul.u32 $0x14000, s2  }
0xc: {  	s11 =	sshll.u32 s8, $0x4;
	s8 =	ssub.s32 $0x2, s8;
	s12 =	smul.u32 $0x50000, s2  }
0xd: {  	s31 =	sshll.u32 s2, $0x6;
	s11 =	sor.u32 s2, s11;
	s28 =	sshrl.u32 s8, $0x1  }
0xe: {  	s9 =	sadd.s32 s10, s9;
	s26 =	smul.u32 $0x5000, s11;
	s30 =	sshrl.u32 s12, $0x2  }
0xf: {  	s11 =	ssub.s32 s8, s28;
	s9 =	sshrl.u32 s9, $0x3;
	s12 =	sadd.s32 s30, s1  }
0x10: {  	s10 =	smax.u32 s11, $0x1;
	s9 =	sadd.s32 s9, s6;
	s29 =	sshrl.u32 s26, $0x3  }
0x11: {  	s11 =	sshrl.u32 s12, $0x3;
	s12 =	simm.s32 $0x5;
	s6 =	sadd.s32 s7, s29  }
0x12: {  	s7 =	sor.u32 $0x1C05, s31;
	s9 =	sadd.s32 $0x2C400, s9;
	s8 =	sadd.s32 $0x500, s6  }
.LBB2_1:
0x13: {  	[spmem:s11], [sflag:s7] =	dma.local [hbm:s5], $0x2800  }
0x14: {  	_ =	swait.ge [sflag:s12], $0x2800  }
0x15: {  	[sflag:s12] =	ssyncset.done $0x0  }
0x16: {  	[sflag:s12] =	ssyncadd.s32 $0xFFFFD800  }
0x17: {  	[bflag:$0x0] =	sbarrier.arrive $0xFFFF  }
0x18: {  	[tilespmem:s3], [sflag:$0x5] =	stream.linear.gather [hbm4b:s6+s3], $0x2800, $0x38;
	[tilespmem:$0x1E800] =	vst v63  }
0x19: {  	_ =	swait.ge [sflag:s12], $0x2800  }
0x1a: {  	[sflag:s12] =	ssyncset.done $0x0  }
0x1b: {  	[sflag:s12] =	ssyncadd.s32 $0xFFFFD800  }
0x1c: {  	[tilespmem:s14], [sflag:$0x1] =	stream.indirect.gather [hbm4b:s4+s13], $0x80, s3, s13, $0xb8;
	[tilespmem:$0x1E800] =	vst v63  }
0x1d: {  	_ = 	snop  }
0x1e: {  	[tilespmem:s16], [sflag:$0x2] =	stream.indirect.gather [hbm4b:s4+s13], $0x80, s15, s13, $0xb8;
	[tilespmem:$0x1E800] =	vst v63  }
0x1f: {  	_ =	swait.ge [sflag:s17], $0x4000  }
0x20: {  	[sflag:s17] =	ssyncset.done $0x0  }
0x21: {  	s24 =	simm.s32 $0x80;
	[sflag:s17] =	ssyncadd.s32 $0xFFFFC000  }
0x22: {  	[spmem:s1] =	stream.indirect.scatter.add.f32 [tilespmem:s14], [sflag:$0x3], $0x80, s24, s13, $0xb8;
	[tilespmem:$0x1E800] =	vst v63  }
0x23: {  	_ =	swait.ge [sflag:s18], $0x4000  }
0x24: {  	[sflag:s18] =	ssyncset.done $0x0  }
0x25: {  	s30 =	simm.s32 $0x180;
	[sflag:s18] =	ssyncadd.s32 $0xFFFFC000  }
0x26: {  	[spmem:s1] =	stream.indirect.scatter.add.f32 [tilespmem:s16], [sflag:$0x4], $0x80, s30, s13, $0xb8;
	[tilespmem:$0x1E800] =	vst v63  }
0x27: {  	_ =	swait.ge [sflag:s19], $0x4000  }
0x28: {  	[sflag:s19] =	ssyncset.done $0x0  }
0x29: {  	s31 =	simm.s32 $0x200;
	[sflag:s19] =	ssyncadd.s32 $0xFFFFC000  }
0x2a: {  	[tilespmem:s14], [sflag:$0x1] =	stream.indirect.gather [hbm4b:s4+s13], $0x80, s31, s13, $0xb8;
	[tilespmem:$0x1E800] =	vst v63  }
0x2b: {  	_ =	swait.ge [sflag:s20], $0x4000  }
0x2c: {  	[sflag:s20] =	ssyncset.done $0x0  }
0x2d: {  	s25 =	simm.s32 $0x300;
	s24 =	simm.s32 $0xFFFF7000;
	[sflag:s20] =	ssyncadd.s32 $0xFFFFC000  }
.LBB2_2:
0x2e: {  	[tilespmem:s16], [sflag:$0x2] =	stream.indirect.gather [hbm4b:s4+s13], $0x80, s25, s13, $0xb8;
	[tilespmem:$0x1E800] =	vst v63  }
0x2f: {  	s25 =	smov.u32 s24  }
0x30: {  	p0 =	sne.s32 s24, $0xFFFFF800;
	s24 =	sadd.s32 $0x800, s24;
	_ =	swait.ge [sflag:s17], $0x4000  }
0x31: {  	s25 =	sshra.s32 s25, $0x2;
	[sflag:s17] =	ssyncset.done $0x0  }
0x32: {  	s26 =	sadd.s32 $0x2680, s25;
	[sflag:s17] =	ssyncadd.s32 $0xFFFFC000  }
0x33: {  	[spmem:s1] =	stream.indirect.scatter.add.f32 [tilespmem:s14], [sflag:$0x3], $0x80, s26, s13, $0xb8;
	[tilespmem:$0x1E800] =	vst v63  }
0x34: {  	_ =	swait.ge [sflag:s18], $0x4000  }
0x35: {  	[sflag:s18] =	ssyncset.done $0x0  }
0x36: {  	s26 =	sadd.s32 $0x2780, s25;
	[sflag:s18] =	ssyncadd.s32 $0xFFFFC000  }
0x37: {  	[spmem:s1] =	stream.indirect.scatter.add.f32 [tilespmem:s16], [sflag:$0x4], $0x80, s26, s13, $0xb8;
	[tilespmem:$0x1E800] =	vst v63  }
0x38: {  	_ =	swait.ge [sflag:s19], $0x4000  }
0x39: {  	[sflag:s19] =	ssyncset.done $0x0  }
.Ltmp0:
0x3a: {  	s26 =	sadd.s32 $0x2800, s25;
	[sflag:s19] =	ssyncadd.s32 $0xFFFFC000;
	(pc) =	sbr.rel @p0 .LBB2_2-.Ltmp0, $4  }
0x3b: {  	[tilespmem:s14], [sflag:$0x1] =	stream.indirect.gather [hbm4b:s4+s13], $0x80, s26, s13, $0xb8;
	[tilespmem:$0x1E800] =	vst v63  }
0x3c: {  	_ =	swait.ge [sflag:s20], $0x4000  }
0x3d: {  	[sflag:s20] =	ssyncset.done $0x0  }
0x3e: {  	s25 =	sadd.s32 $0x2900, s25;
	[sflag:s20] =	ssyncadd.s32 $0xFFFFC000  }
0x3f: {  	[tilespmem:s16], [sflag:$0x2] =	stream.indirect.gather [hbm4b:s4+s13], $0x80, s25, s13, $0xb8;
	[tilespmem:$0x1E800] =	vst v63  }
0x40: {  	_ =	swait.ge [sflag:s17], $0x4000  }
0x41: {  	[sflag:s17] =	ssyncset.done $0x0  }
0x42: {  	[sflag:s17] =	ssyncadd.s32 $0xFFFFC000  }
0x43: {  	[spmem:s1] =	stream.indirect.scatter.add.f32 [tilespmem:s14], [sflag:$0x3], $0x80, s21, s13, $0xb8;
	[tilespmem:$0x1E800] =	vst v63  }
0x44: {  	_ =	swait.ge [sflag:s18], $0x4000  }
0x45: {  	[sflag:s18] =	ssyncset.done $0x0  }
0x46: {  	[sflag:s18] =	ssyncadd.s32 $0xFFFFC000  }
0x47: {  	[spmem:s1] =	stream.indirect.scatter.add.f32 [tilespmem:s16], [sflag:$0x4], $0x80, s22, s13, $0xb8;
	[tilespmem:$0x1E800] =	vst v63  }
0x48: {  	_ =	swait.ge [sflag:s19], $0x4000  }
0x49: {  	[sflag:s19] =	ssyncset.done $0x0  }
0x4a: {  	[sflag:s19] =	ssyncadd.s32 $0xFFFFC000  }
0x4b: {  	_ =	swait.ge [sflag:s20], $0x4000  }
0x4c: {  	[sflag:s20] =	ssyncset.done $0x0  }
0x4d: {  	[sflag:s20] =	ssyncadd.s32 $0xFFFFC000  }
0x4e: {  	[tilespmem:s3], [sflag:$0x5] =	stream.linear.gather [hbm4b:s8+s3], $0x2800, $0x38;
	[tilespmem:$0x1E800] =	vst v63  }
0x4f: {  	_ =	swait.ge [sflag:s12], $0x2800  }
0x50: {  	[sflag:s12] =	ssyncset.done $0x0  }
0x51: {  	[sflag:s12] =	ssyncadd.s32 $0xFFFFD800  }
0x52: {  	[tilespmem:s14], [sflag:$0x1] =	stream.indirect.gather [hbm4b:s4+s13], $0x80, s3, s13, $0xb8;
	[tilespmem:$0x1E800] =	vst v63  }
0x53: {  	_ = 	snop  }
0x54: {  	[tilespmem:s16], [sflag:$0x2] =	stream.indirect.gather [hbm4b:s4+s13], $0x80, s15, s13, $0xb8;
	[tilespmem:$0x1E800] =	vst v63  }
0x55: {  	_ =	swait.ge [sflag:s17], $0x4000  }
0x56: {  	[sflag:s17] =	ssyncset.done $0x0  }
0x57: {  	s24 =	simm.s32 $0x80;
	[sflag:s17] =	ssyncadd.s32 $0xFFFFC000  }
0x58: {  	[spmem:s1] =	stream.indirect.scatter.add.f32 [tilespmem:s14], [sflag:$0x3], $0x80, s24, s13, $0xb8;
	[tilespmem:$0x1E800] =	vst v63  }
0x59: {  	_ =	swait.ge [sflag:s18], $0x4000  }
0x5a: {  	[sflag:s18] =	ssyncset.done $0x0  }
0x5b: {  	s30 =	simm.s32 $0x180;
	[sflag:s18] =	ssyncadd.s32 $0xFFFFC000  }
0x5c: {  	[spmem:s1] =	stream.indirect.scatter.add.f32 [tilespmem:s16], [sflag:$0x4], $0x80, s30, s13, $0xb8;
	[tilespmem:$0x1E800] =	vst v63  }
0x5d: {  	_ =	swait.ge [sflag:s19], $0x4000  }
0x5e: {  	[sflag:s19] =	ssyncset.done $0x0  }
0x5f: {  	s31 =	simm.s32 $0x200;
	[sflag:s19] =	ssyncadd.s32 $0xFFFFC000  }
0x60: {  	[tilespmem:s14], [sflag:$0x1] =	stream.indirect.gather [hbm4b:s4+s13], $0x80, s31, s13, $0xb8;
	[tilespmem:$0x1E800] =	vst v63  }
0x61: {  	_ =	swait.ge [sflag:s20], $0x4000  }
0x62: {  	[sflag:s20] =	ssyncset.done $0x0  }
0x63: {  	s25 =	simm.s32 $0x300;
	s24 =	simm.s32 $0xFFFF7000;
	[sflag:s20] =	ssyncadd.s32 $0xFFFFC000  }
.LBB2_4:
0x64: {  	[tilespmem:s16], [sflag:$0x2] =	stream.indirect.gather [hbm4b:s4+s13], $0x80, s25, s13, $0xb8;
	[tilespmem:$0x1E800] =	vst v63  }
0x65: {  	s25 =	smov.u32 s24  }
0x66: {  	p0 =	sne.s32 s24, $0xFFFFF800;
	s24 =	sadd.s32 $0x800, s24;
	_ =	swait.ge [sflag:s17], $0x4000  }
0x67: {  	s25 =	sshra.s32 s25, $0x2;
	[sflag:s17] =	ssyncset.done $0x0  }
0x68: {  	s26 =	sadd.s32 $0x2680, s25;
	[sflag:s17] =	ssyncadd.s32 $0xFFFFC000  }
0x69: {  	[spmem:s1] =	stream.indirect.scatter.add.f32 [tilespmem:s14], [sflag:$0x3], $0x80, s26, s13, $0xb8;
	[tilespmem:$0x1E800] =	vst v63  }
0x6a: {  	_ =	swait.ge [sflag:s18], $0x4000  }
0x6b: {  	[sflag:s18] =	ssyncset.done $0x0  }
0x6c: {  	s26 =	sadd.s32 $0x2780, s25;
	[sflag:s18] =	ssyncadd.s32 $0xFFFFC000  }
0x6d: {  	[spmem:s1] =	stream.indirect.scatter.add.f32 [tilespmem:s16], [sflag:$0x4], $0x80, s26, s13, $0xb8;
	[tilespmem:$0x1E800] =	vst v63  }
0x6e: {  	_ =	swait.ge [sflag:s19], $0x4000  }
0x6f: {  	[sflag:s19] =	ssyncset.done $0x0  }
.Ltmp1:
0x70: {  	s26 =	sadd.s32 $0x2800, s25;
	[sflag:s19] =	ssyncadd.s32 $0xFFFFC000;
	(pc) =	sbr.rel @p0 .LBB2_4-.Ltmp1, $4  }
0x71: {  	[tilespmem:s14], [sflag:$0x1] =	stream.indirect.gather [hbm4b:s4+s13], $0x80, s26, s13, $0xb8;
	[tilespmem:$0x1E800] =	vst v63  }
0x72: {  	_ =	swait.ge [sflag:s20], $0x4000  }
0x73: {  	[sflag:s20] =	ssyncset.done $0x0  }
0x74: {  	s25 =	sadd.s32 $0x2900, s25;
	[sflag:s20] =	ssyncadd.s32 $0xFFFFC000  }
0x75: {  	[tilespmem:s16], [sflag:$0x2] =	stream.indirect.gather [hbm4b:s4+s13], $0x80, s25, s13, $0xb8;
	[tilespmem:$0x1E800] =	vst v63  }
0x76: {  	_ =	swait.ge [sflag:s17], $0x4000  }
0x77: {  	[sflag:s17] =	ssyncset.done $0x0  }
0x78: {  	[sflag:s17] =	ssyncadd.s32 $0xFFFFC000  }
0x79: {  	[spmem:s1] =	stream.indirect.scatter.add.f32 [tilespmem:s14], [sflag:$0x3], $0x80, s21, s13, $0xb8;
	[tilespmem:$0x1E800] =	vst v63  }
0x7a: {  	_ =	swait.ge [sflag:s18], $0x4000  }
0x7b: {  	[sflag:s18] =	ssyncset.done $0x0  }
0x7c: {  	[sflag:s18] =	ssyncadd.s32 $0xFFFFC000  }
0x7d: {  	[spmem:s1] =	stream.indirect.scatter.add.f32 [tilespmem:s16], [sflag:$0x4], $0x80, s22, s13, $0xb8;
	[tilespmem:$0x1E800] =	vst v63  }
0x7e: {  	_ =	swait.ge [sflag:s19], $0x4000  }
0x7f: {  	[sflag:s19] =	ssyncset.done $0x0  }
0x80: {  	[sflag:s19] =	ssyncadd.s32 $0xFFFFC000  }
0x81: {  	_ =	swait.ge [sflag:s20], $0x4000  }
0x82: {  	s23 =	sadd.s32 $0x1, s23;
	[sflag:s20] =	ssyncset.done $0x0  }
0x83: {  	p0 =	sne.s32 s23, s10;
	[sflag:s20] =	ssyncadd.s32 $0xFFFFC000  }
.Ltmp2:
0x84: {  	[bflag:$0x0] =	sbarrier.arrive $0xFFFF;
	(pc) =	sbr.rel @p0 .LBB2_1-.Ltmp2, $4  }
0x85: {  	[hbm:s9], [sflag:s7] =	dma.local [spmem:s11], $0x2800  }
0x86: {  	_ =	swait.ge [sflag:s12], $0x2800  }
0x87: {  	[sflag:s12] =	ssyncset.done $0x0  }
0x88: {  	[sflag:s12] =	ssyncadd.s32 $0xFFFFD800  }
0x89: {  	_ =	sfence.sel $0x180000  }
0x8a: {  	[bflag:$0x0] =	sbarrier.arrive $0xFFFF  }
0x8b: {  	p0 =	sne.s32 s2, $0x0;
	_ =	strace $0x9000004A  }
0x8c: {  	s0 =	sadd.s32 @!p0 $0x100000, s0;
	[bflag:$0x2] =	sbarrier.arrive $0xFFFF  }
0x8d: {  	[sflag:s0] =	ssyncadd.tile.s32 @!p0 $0x1;
	_ =	shalt  }
.Lfunc_end2:
_tile_overlayer_lowered:
.L_overlay_start_2:
0x8e: {  	(tag) =	ssettag $0x2  }
0x8f: {  	s0 =	rddreg [dreg:$0x0];
	s2 =	stileid.u32  }
0x90: {  	s1 =	rddreg [dreg:$0x1];
	p0 =	sne.s32 s2, $0x0  }
0x91: {  	s3 =	rddreg [dreg:$0x2];
	[bflag:$0x3] =	sbarrier.arrive $0xFFFF;
	s2 =	simm.s32 @!p0 $0x1C05  }
0x92: {  	[timem:s3], [sflag:s2] =	dma.local @!p0 [hbm:s0], s1  }
0x93: {  	s0 =	simm.s32 @!p0 $0x5  }
0x94: {  	_ =	swait.ge @!p0 [sflag:s0], s1  }
0x95: {  	s1 =	ssub.s32 @!p0 $0x0, s1;
	[sflag:s0] =	ssyncset.done @!p0 $0x0  }
0x96: {  	[sflag:s0] =	ssyncadd.s32 @!p0 s1  }
0x97: {  	[bflag:$0x3] =	sbarrier.arrive $0xFFFF  }
0x98: {  	_ =	shalt  }

</sc_bundles>
